<compile_context>
chip_gen: v7x
topology: tpu7x:2x2x1
jax: 0.10.2.dev20260603
libtpu: 0.0.44.dev20260713+nightly
codegen_flags: <defaults>
</compile_context>

<pallas_src>
import functools

import jax
import jax.numpy as jnp
from jax import lax
from jax.experimental import pallas as pl
from jax.experimental.pallas import tpu as pltpu
from jax.experimental.pallas import tpu_sc as plsc

N_FIELDS = 26
N_DENSE = 13
VOCAB = 100000
DIM = 32
BATCH = 16384
OUT_COLS = N_FIELDS * DIM + N_DENSE

NC, NS = 2, 16
NW = NC * NS
ROWS_PER_W = BATCH // NW
R = 128
N_CHUNKS = ROWS_PER_W // R

_mesh = plsc.VectorSubcoreMesh(
    core_axis_name="c", subcore_axis_name="s", num_cores=NC, num_subcores=NS
)


@functools.partial(
    pl.kernel,
    out_type=jax.ShapeDtypeStruct((BATCH * N_FIELDS, DIM), jnp.float32),
    mesh=_mesh,
    scratch_types=[
        pltpu.VMEM((N_FIELDS, R), jnp.int32),
        pltpu.VMEM((N_FIELDS * R, DIM), jnp.float32),
        pltpu.SemaphoreType.DMA,
    ],
    compiler_params=pltpu.CompilerParams(use_tc_tiling_on_sc=False),
)
def _gather_emb(idx_hbm, tbl_hbm, emb_hbm, idx_v, cont_v, sem):
    wid = lax.axis_index("s") * NC + lax.axis_index("c")

    @pl.loop(0, N_CHUNKS)
    def _chunk(c):
        k = wid * N_CHUNKS + c
        pltpu.sync_copy(idx_hbm.at[pl.ds(k * N_FIELDS, N_FIELDS), :], idx_v)
        descs = [
            pltpu.async_copy(
                tbl_hbm.at[idx_v.at[g]], cont_v.at[pl.ds(g * R, R), :], sem
            )
            for g in range(N_FIELDS)
        ]
        for d in descs:
            d.wait()
        pltpu.sync_copy(
            cont_v, emb_hbm.at[pl.ds(k * N_FIELDS * R, N_FIELDS * R), :]
        )


BR = 512


def _assemble(emb_ref, dense_ref, out_ref):
    e = emb_ref[...].reshape(BR, N_FIELDS, DIM)
    for f in range(N_FIELDS):
        out_ref[:, f * DIM : (f + 1) * DIM] = e[:, f, :]
    out_ref[:, N_FIELDS * DIM :] = jnp.transpose(dense_ref[...])


_assemble_call = pl.pallas_call(
    _assemble,
    grid=(BATCH // BR,),
    in_specs=[
        pl.BlockSpec((BR * N_FIELDS, DIM), lambda i: (i, 0)),
        pl.BlockSpec((N_DENSE, BR), lambda i: (0, i)),
    ],
    out_specs=pl.BlockSpec((BR, OUT_COLS), lambda i: (i, 0)),
    out_shape=jax.ShapeDtypeStruct((BATCH, OUT_COLS), jnp.float32),
)


def kernel(indices, dense, tables):
    offs = (jnp.arange(N_FIELDS, dtype=jnp.int32) * VOCAB)[:, None]
    idx_int = (indices + offs).T.reshape(BATCH * N_FIELDS // R, R)
    flat_tbl = tables.reshape(N_FIELDS * VOCAB, DIM)
    emb = _gather_emb(idx_int, flat_tbl)
    return _assemble_call(emb, dense)

# --- scband reference (transcript-rebuilt; emitter-appended) ---
"""Pipeline reference for scband-combine-2448131358942 (READ-ONLY COPY).

The authoritative reference and input builder live on the scoring server;
editing this copy changes nothing except your own understanding.
"""

import jax, jax.numpy as jnp
import numpy as np

N_FIELDS = 26
N_DENSE = 13
VOCAB = 100000
DIM = 32
BATCH = 16384


def setup_inputs(seed: int = 0) -> dict:
    key = jax.random.key(seed)
    k1, k2, k3 = jax.random.split(key, 3)
    indices = jax.random.randint(k1, (N_FIELDS, BATCH), 0, VOCAB, dtype=jnp.int64 if jax.config.jax_enable_x64 else jnp.int32)
    indices = indices.astype(jnp.int32)
    dense = jax.random.normal(k2, (N_DENSE, BATCH), dtype=jnp.float32)
    tables = jax.random.normal(k3, (N_FIELDS, VOCAB, DIM), dtype=jnp.float32) * 0.01
    return {"indices": indices, "dense": dense, "tables": tables}


def reference(indices, dense, tables):
    # For each categorical feature f: embedding_f(x[f.name]) -> [B, DIM]
    # tables: [F, VOCAB, DIM], indices: [F, B]
    emb = jax.vmap(lambda t, idx: jnp.take(t, idx, axis=0))(tables, indices)  # [F, B, DIM]
    B = indices.shape[1]
    emb = jnp.transpose(emb, (1, 0, 2)).reshape(B, -1)  # cat along dim=1 in feature order
    # Dense features: x[f.name].unsqueeze(1) -> [B, 1], then cat -> [B, N_DENSE]
    dense_t = jnp.transpose(dense)  # [B, N_DENSE]
    return jnp.concatenate([emb, dense_t], axis=1)  # [B, F*DIM + N_DENSE]

if __name__ == "__main__":
    import jax
    _d = setup_inputs()
    print(jax.jit(kernel)(*tuple(_d.values())))

</pallas_src>

<mosaic_0001>
#map = affine_map<(d0, d1) -> (0, 0)>
module attributes {stable_mosaic.version = 14 : i64} {
  func.func @_gather_emb(%arg0: i32, %arg1: i32, %arg2: memref<3328x128xi32, #tpu.memory_space<hbm>>, %arg3: memref<2600000x32xf32, #tpu.memory_space<hbm>>, %arg4: memref<425984x32xf32, #tpu.memory_space<hbm>>, %arg5: memref<26x128xi32, #tpu.memory_space<vmem>>, %arg6: memref<3328x32xf32, #tpu.memory_space<vmem>>, %arg7: memref<!tpu.dma_semaphore, #tpu.memory_space<semaphore_mem>>) attributes {dimension_semantics = [#tpu.dimension_semantics<core_parallel>, #tpu.dimension_semantics<subcore_parallel>], iteration_bounds = array<i64: 2, 16>, scalar_prefetch = 0 : i64, scratch_operands = 3 : i64, tpu.core_type = #tpu.core_type<sc_vector_subcore>, window_params = [{transform_indices = #map}, {transform_indices = #map}, {transform_indices = #map}]} {
    %mul3A = arith.constant 2 : i32
    %mul3A_0 = arith.muli %arg1, %mul3A : i32
    %add3A = arith.addi %mul3A_0, %arg0 : i32
    %scan3A = arith.constant 0 : i32
    %scan3A_1 = arith.constant 4 : i32
    %scan3A_2 = arith.addi %scan3A, %scan3A_1 : i32
    %scan3A_3 = arith.constant 1 : i32
    scf.for %scan3A_5 = %scan3A to %scan3A_2 step %scan3A_3  : i32 {
      %mul3A_6 = arith.constant 1 : i32
      %mul3A_7 = arith.muli %scan3A_5, %mul3A_6 : i32
      %add3A_8 = arith.constant 0 : i32
      %add3A_9 = arith.addi %add3A_8, %mul3A_7 : i32
      %mul3A_10 = arith.constant 4 : i32
      %mul3A_11 = arith.muli %add3A, %mul3A_10 : i32
      %add3A_12 = arith.addi %mul3A_11, %add3A_9 : i32
      %mul3A_13 = arith.constant 26 : i32
      %mul3A_14 = arith.muli %add3A_12, %mul3A_13 : i32
      "tpu.region"() ({
        %run_scoped3A = tpu.sem_alloc : memref<!tpu.dma_semaphore, #tpu.memory_space<semaphore_mem>>
        %dma_start3A_537 = arith.constant 0 : i32
        %dma_start3A_538 = tpu.memref_slice %arg2[%mul3A_14, %dma_start3A_537] : memref<3328x128xi32, #tpu.memory_space<hbm>> -> memref<26x128xi32, #tpu.memory_space<hbm>>
        %dma_start3A_539 = arith.constant 0 : i32
        %dma_start3A_540 = tpu.memref_slice %arg2[%mul3A_14, %dma_start3A_539] : memref<3328x128xi32, #tpu.memory_space<hbm>> -> memref<26x128xi32, #tpu.memory_space<hbm>>
        tpu.enqueue_dma source(%dma_start3A_540 : memref<26x128xi32, #tpu.memory_space<hbm>>) target(%arg5 : memref<26x128xi32, #tpu.memory_space<vmem>>) target_semaphore(%run_scoped3A : memref<!tpu.dma_semaphore, #tpu.memory_space<semaphore_mem>>)
        %dma_wait3A_541 = arith.constant 0 : i32
        %dma_wait3A_542 = tpu.memref_slice %arg2[%mul3A_14, %dma_wait3A_541] : memref<3328x128xi32, #tpu.memory_space<hbm>> -> memref<26x128xi32, #tpu.memory_space<hbm>>
        %dma_wait3A_543 = arith.constant 0 : i32
        %dma_wait3A_544 = tpu.memref_slice %arg2[%mul3A_14, %dma_wait3A_543] : memref<3328x128xi32, #tpu.memory_space<hbm>> -> memref<26x128xi32, #tpu.memory_space<hbm>>
        tpu.wait_dma2 semaphore(%run_scoped3A : memref<!tpu.dma_semaphore, #tpu.memory_space<semaphore_mem>>) src(%dma_wait3A_544 : memref<26x128xi32, #tpu.memory_space<hbm>>) dst(%arg5 : memref<26x128xi32, #tpu.memory_space<vmem>>)
        tpu.yield
      }) : () -> ()
      %dma_start3A = arith.constant 0 : i32
      %dma_start3A_15 = arith.constant 0 : i32
      %dma_start3A_16 = arith.constant 0 : i32
      %dma_start3A_17 = tpu.memref_slice %arg6[%dma_start3A_15, %dma_start3A_16] : memref<3328x32xf32, #tpu.memory_space<vmem>> -> memref<128x32xf32, #tpu.memory_space<vmem>>
      %dma_start3A_18 = arith.constant 0 : i32
      %dma_start3A_19 = tpu.memref_slice %arg5[%dma_start3A, %dma_start3A_18] : memref<26x128xi32, #tpu.memory_space<vmem>> -> memref<1x128xi32, #tpu.memory_space<vmem>>
      %dma_start3A_20 = tpu.memref_squeeze %dma_start3A_19 : memref<1x128xi32, #tpu.memory_space<vmem>> -> memref<128xi32, #tpu.memory_space<vmem>>
      %dma_start3A_21 = arith.constant 0 : i32
      %dma_start3A_22 = arith.constant 0 : i32
      %dma_start3A_23 = tpu.memref_slice %arg3[%dma_start3A_21, %dma_start3A_22] : memref<2600000x32xf32, #tpu.memory_space<hbm>> -> memref<2600000x32xf32, #tpu.memory_space<hbm>>
      tpu.enqueue_indirect_dma source(%dma_start3A_23 : memref<2600000x32xf32, #tpu.memory_space<hbm>>) target(%dma_start3A_17 : memref<128x32xf32, #tpu.memory_space<vmem>>) offsets(%dma_start3A_20 : memref<128xi32, #tpu.memory_space<vmem>>) semaphore(%arg7 : memref<!tpu.dma_semaphore, #tpu.memory_space<semaphore_mem>>)
      %dma_start3A_24 = arith.constant 1 : i32
      %dma_start3A_25 = arith.constant 128 : i32
      %dma_start3A_26 = arith.constant 0 : i32
      %dma_start3A_27 = tpu.memref_slice %arg6[%dma_start3A_25, %dma_start3A_26] : memref<3328x32xf32, #tpu.memory_space<vmem>> -> memref<128x32xf32, #tpu.memory_space<vmem>>
      %dma_start3A_28 = arith.constant 0 : i32
      %dma_start3A_29 = tpu.memref_slice %arg5[%dma_start3A_24, %dma_start3A_28] : memref<26x128xi32, #tpu.memory_space<vmem>> -> memref<1x128xi32, #tpu.memory_space<vmem>>
      %dma_start3A_30 = tpu.memref_squeeze %dma_start3A_29 : memref<1x128xi32, #tpu.memory_space<vmem>> -> memref<128xi32, #tpu.memory_space<vmem>>
      %dma_start3A_31 = arith.constant 0 : i32
      %dma_start3A_32 = arith.constant 0 : i32
      %dma_start3A_33 = tpu.memref_slice %arg3[%dma_start3A_31, %dma_start3A_32] : memref<2600000x32xf32, #tpu.memory_space<hbm>> -> memref<2600000x32xf32, #tpu.memory_space<hbm>>
      tpu.enqueue_indirect_dma source(%dma_start3A_33 : memref<2600000x32xf32, #tpu.memory_space<hbm>>) target(%dma_start3A_27 : memref<128x32xf32, #tpu.memory_space<vmem>>) offsets(%dma_start3A_30 : memref<128xi32, #tpu.memory_space<vmem>>) semaphore(%arg7 : memref<!tpu.dma_semaphore, #tpu.memory_space<semaphore_mem>>)
      %dma_start3A_34 = arith.constant 2 : i32
      %dma_start3A_35 = arith.constant 256 : i32
      %dma_start3A_36 = arith.constant 0 : i32
      %dma_start3A_37 = tpu.memref_slice %arg6[%dma_start3A_35, %dma_start3A_36] : memref<3328x32xf32, #tpu.memory_space<vmem>> -> memref<128x32xf32, #tpu.memory_space<vmem>>
      %dma_start3A_38 = arith.constant 0 : i32
      %dma_start3A_39 = tpu.memref_slice %arg5[%dma_start3A_34, %dma_start3A_38] : memref<26x128xi32, #tpu.memory_space<vmem>> -> memref<1x128xi32, #tpu.memory_space<vmem>>
      %dma_start3A_40 = tpu.memref_squeeze %dma_start3A_39 : memref<1x128xi32, #tpu.memory_space<vmem>> -> memref<128xi32, #tpu.memory_space<vmem>>
      %dma_start3A_41 = arith.constant 0 : i32
      %dma_start3A_42 = arith.constant 0 : i32
      %dma_start3A_43 = tpu.memref_slice %arg3[%dma_start3A_41, %dma_start3A_42] : memref<2600000x32xf32, #tpu.memory_space<hbm>> -> memref<2600000x32xf32, #tpu.memory_space<hbm>>
      tpu.enqueue_indirect_dma source(%dma_start3A_43 : memref<2600000x32xf32, #tpu.memory_space<hbm>>) target(%dma_start3A_37 : memref<128x32xf32, #tpu.memory_space<vmem>>) offsets(%dma_start3A_40 : memref<128xi32, #tpu.memory_space<vmem>>) semaphore(%arg7 : memref<!tpu.dma_semaphore, #tpu.memory_space<semaphore_mem>>)
      %dma_start3A_44 = arith.constant 3 : i32
      %dma_start3A_45 = arith.constant 384 : i32
      %dma_start3A_46 = arith.constant 0 : i32
      %dma_start3A_47 = tpu.memref_slice %arg6[%dma_start3A_45, %dma_start3A_46] : memref<3328x32xf32, #tpu.memory_space<vmem>> -> memref<128x32xf32, #tpu.memory_space<vmem>>
      %dma_start3A_48 = arith.constant 0 : i32
      %dma_start3A_49 = tpu.memref_slice %arg5[%dma_start3A_44, %dma_start3A_48] : memref<26x128xi32, #tpu.memory_space<vmem>> -> memref<1x128xi32, #tpu.memory_space<vmem>>
      %dma_start3A_50 = tpu.memref_squeeze %dma_start3A_49 : memref<1x128xi32, #tpu.memory_space<vmem>> -> memref<128xi32, #tpu.memory_space<vmem>>
      %dma_start3A_51 = arith.constant 0 : i32
      %dma_start3A_52 = arith.constant 0 : i32
      %dma_start3A_53 = tpu.memref_slice %arg3[%dma_start3A_51, %dma_start3A_52] : memref<2600000x32xf32, #tpu.memory_space<hbm>> -> memref<2600000x32xf32, #tpu.memory_space<hbm>>
      tpu.enqueue_indirect_dma source(%dma_start3A_53 : memref<2600000x32xf32, #tpu.memory_space<hbm>>) target(%dma_start3A_47 : memref<128x32xf32, #tpu.memory_space<vmem>>) offsets(%dma_start3A_50 : memref<128xi32, #tpu.memory_space<vmem>>) semaphore(%arg7 : memref<!tpu.dma_semaphore, #tpu.memory_space<semaphore_mem>>)
      %dma_start3A_54 = arith.constant 4 : i32
      %dma_start3A_55 = arith.constant 512 : i32
      %dma_start3A_56 = arith.constant 0 : i32
      %dma_start3A_57 = tpu.memref_slice %arg6[%dma_start3A_55, %dma_start3A_56] : memref<3328x32xf32, #tpu.memory_space<vmem>> -> memref<128x32xf32, #tpu.memory_space<vmem>>
      %dma_start3A_58 = arith.constant 0 : i32
      %dma_start3A_59 = tpu.memref_slice %arg5[%dma_start3A_54, %dma_start3A_58] : memref<26x128xi32, #tpu.memory_space<vmem>> -> memref<1x128xi32, #tpu.memory_space<vmem>>
      %dma_start3A_60 = tpu.memref_squeeze %dma_start3A_59 : memref<1x128xi32, #tpu.memory_space<vmem>> -> memref<128xi32, #tpu.memory_space<vmem>>
      %dma_start3A_61 = arith.constant 0 : i32
      %dma_start3A_62 = arith.constant 0 : i32
      %dma_start3A_63 = tpu.memref_slice %arg3[%dma_start3A_61, %dma_start3A_62] : memref<2600000x32xf32, #tpu.memory_space<hbm>> -> memref<2600000x32xf32, #tpu.memory_space<hbm>>
      tpu.enqueue_indirect_dma source(%dma_start3A_63 : memref<2600000x32xf32, #tpu.memory_space<hbm>>) target(%dma_start3A_57 : memref<128x32xf32, #tpu.memory_space<vmem>>) offsets(%dma_start3A_60 : memref<128xi32, #tpu.memory_space<vmem>>) semaphore(%arg7 : memref<!tpu.dma_semaphore, #tpu.memory_space<semaphore_mem>>)
      %dma_start3A_64 = arith.constant 5 : i32
      %dma_start3A_65 = arith.constant 640 : i32
      %dma_start3A_66 = arith.constant 0 : i32
      %dma_start3A_67 = tpu.memref_slice %arg6[%dma_start3A_65, %dma_start3A_66] : memref<3328x32xf32, #tpu.memory_space<vmem>> -> memref<128x32xf32, #tpu.memory_space<vmem>>
      %dma_start3A_68 = arith.constant 0 : i32
      %dma_start3A_69 = tpu.memref_slice %arg5[%dma_start3A_64, %dma_start3A_68] : memref<26x128xi32, #tpu.memory_space<vmem>> -> memref<1x128xi32, #tpu.memory_space<vmem>>
      %dma_start3A_70 = tpu.memref_squeeze %dma_start3A_69 : memref<1x128xi32, #tpu.memory_space<vmem>> -> memref<128xi32, #tpu.memory_space<vmem>>
      %dma_start3A_71 = arith.constant 0 : i32
      %dma_start3A_72 = arith.constant 0 : i32
      %dma_start3A_73 = tpu.memref_slice %arg3[%dma_start3A_71, %dma_start3A_72] : memref<2600000x32xf32, #tpu.memory_space<hbm>> -> memref<2600000x32xf32, #tpu.memory_space<hbm>>
      tpu.enqueue_indirect_dma source(%dma_start3A_73 : memref<2600000x32xf32, #tpu.memory_space<hbm>>) target(%dma_start3A_67 : memref<128x32xf32, #tpu.memory_space<vmem>>) offsets(%dma_start3A_70 : memref<128xi32, #tpu.memory_space<vmem>>) semaphore(%arg7 : memref<!tpu.dma_semaphore, #tpu.memory_space<semaphore_mem>>)
      %dma_start3A_74 = arith.constant 6 : i32
      %dma_start3A_75 = arith.constant 768 : i32
      %dma_start3A_76 = arith.constant 0 : i32
      %dma_start3A_77 = tpu.memref_slice %arg6[%dma_start3A_75, %dma_start3A_76] : memref<3328x32xf32, #tpu.memory_space<vmem>> -> memref<128x32xf32, #tpu.memory_space<vmem>>
      %dma_start3A_78 = arith.constant 0 : i32
      %dma_start3A_79 = tpu.memref_slice %arg5[%dma_start3A_74, %dma_start3A_78] : memref<26x128xi32, #tpu.memory_space<vmem>> -> memref<1x128xi32, #tpu.memory_space<vmem>>
      %dma_start3A_80 = tpu.memref_squeeze %dma_start3A_79 : memref<1x128xi32, #tpu.memory_space<vmem>> -> memref<128xi32, #tpu.memory_space<vmem>>
      %dma_start3A_81 = arith.constant 0 : i32
      %dma_start3A_82 = arith.constant 0 : i32
      %dma_start3A_83 = tpu.memref_slice %arg3[%dma_start3A_81, %dma_start3A_82] : memref<2600000x32xf32, #tpu.memory_space<hbm>> -> memref<2600000x32xf32, #tpu.memory_space<hbm>>
      tpu.enqueue_indirect_dma source(%dma_start3A_83 : memref<2600000x32xf32, #tpu.memory_space<hbm>>) target(%dma_start3A_77 : memref<128x32xf32, #tpu.memory_space<vmem>>) offsets(%dma_start3A_80 : memref<128xi32, #tpu.memory_space<vmem>>) semaphore(%arg7 : memref<!tpu.dma_semaphore, #tpu.memory_space<semaphore_mem>>)
      %dma_start3A_84 = arith.constant 7 : i32
      %dma_start3A_85 = arith.constant 896 : i32
      %dma_start3A_86 = arith.constant 0 : i32
      %dma_start3A_87 = tpu.memref_slice %arg6[%dma_start3A_85, %dma_start3A_86] : memref<3328x32xf32, #tpu.memory_space<vmem>> -> memref<128x32xf32, #tpu.memory_space<vmem>>
      %dma_start3A_88 = arith.constant 0 : i32
      %dma_start3A_89 = tpu.memref_slice %arg5[%dma_start3A_84, %dma_start3A_88] : memref<26x128xi32, #tpu.memory_space<vmem>> -> memref<1x128xi32, #tpu.memory_space<vmem>>
      %dma_start3A_90 = tpu.memref_squeeze %dma_start3A_89 : memref<1x128xi32, #tpu.memory_space<vmem>> -> memref<128xi32, #tpu.memory_space<vmem>>
      %dma_start3A_91 = arith.constant 0 : i32
      %dma_start3A_92 = arith.constant 0 : i32
      %dma_start3A_93 = tpu.memref_slice %arg3[%dma_start3A_91, %dma_start3A_92] : memref<2600000x32xf32, #tpu.memory_space<hbm>> -> memref<2600000x32xf32, #tpu.memory_space<hbm>>
      tpu.enqueue_indirect_dma source(%dma_start3A_93 : memref<2600000x32xf32, #tpu.memory_space<hbm>>) target(%dma_start3A_87 : memref<128x32xf32, #tpu.memory_space<vmem>>) offsets(%dma_start3A_90 : memref<128xi32, #tpu.memory_space<vmem>>) semaphore(%arg7 : memref<!tpu.dma_semaphore, #tpu.memory_space<semaphore_mem>>)
      %dma_start3A_94 = arith.constant 8 : i32
      %dma_start3A_95 = arith.constant 1024 : i32
      %dma_start3A_96 = arith.constant 0 : i32
      %dma_start3A_97 = tpu.memref_slice %arg6[%dma_start3A_95, %dma_start3A_96] : memref<3328x32xf32, #tpu.memory_space<vmem>> -> memref<128x32xf32, #tpu.memory_space<vmem>>
      %dma_start3A_98 = arith.constant 0 : i32
      %dma_start3A_99 = tpu.memref_slice %arg5[%dma_start3A_94, %dma_start3A_98] : memref<26x128xi32, #tpu.memory_space<vmem>> -> memref<1x128xi32, #tpu.memory_space<vmem>>
      %dma_start3A_100 = tpu.memref_squeeze %dma_start3A_99 : memref<1x128xi32, #tpu.memory_space<vmem>> -> memref<128xi32, #tpu.memory_space<vmem>>
      %dma_start3A_101 = arith.constant 0 : i32
      %dma_start3A_102 = arith.constant 0 : i32
      %dma_start3A_103 = tpu.memref_slice %arg3[%dma_start3A_101, %dma_start3A_102] : memref<2600000x32xf32, #tpu.memory_space<hbm>> -> memref<2600000x32xf32, #tpu.memory_space<hbm>>
      tpu.enqueue_indirect_dma source(%dma_start3A_103 : memref<2600000x32xf32, #tpu.memory_space<hbm>>) target(%dma_start3A_97 : memref<128x32xf32, #tpu.memory_space<vmem>>) offsets(%dma_start3A_100 : memref<128xi32, #tpu.memory_space<vmem>>) semaphore(%arg7 : memref<!tpu.dma_semaphore, #tpu.memory_space<semaphore_mem>>)
      %dma_start3A_104 = arith.constant 9 : i32
      %dma_start3A_105 = arith.constant 1152 : i32
      %dma_start3A_106 = arith.constant 0 : i32
      %dma_start3A_107 = tpu.memref_slice %arg6[%dma_start3A_105, %dma_start3A_106] : memref<3328x32xf32, #tpu.memory_space<vmem>> -> memref<128x32xf32, #tpu.memory_space<vmem>>
      %dma_start3A_108 = arith.constant 0 : i32
      %dma_start3A_109 = tpu.memref_slice %arg5[%dma_start3A_104, %dma_start3A_108] : memref<26x128xi32, #tpu.memory_space<vmem>> -> memref<1x128xi32, #tpu.memory_space<vmem>>
      %dma_start3A_110 = tpu.memref_squeeze %dma_start3A_109 : memref<1x128xi32, #tpu.memory_space<vmem>> -> memref<128xi32, #tpu.memory_space<vmem>>
      %dma_start3A_111 = arith.constant 0 : i32
      %dma_start3A_112 = arith.constant 0 : i32
      %dma_start3A_113 = tpu.memref_slice %arg3[%dma_start3A_111, %dma_start3A_112] : memref<2600000x32xf32, #tpu.memory_space<hbm>> -> memref<2600000x32xf32, #tpu.memory_space<hbm>>
      tpu.enqueue_indirect_dma source(%dma_start3A_113 : memref<2600000x32xf32, #tpu.memory_space<hbm>>) target(%dma_start3A_107 : memref<128x32xf32, #tpu.memory_space<vmem>>) offsets(%dma_start3A_110 : memref<128xi32, #tpu.memory_space<vmem>>) semaphore(%arg7 : memref<!tpu.dma_semaphore, #tpu.memory_space<semaphore_mem>>)
      %dma_start3A_114 = arith.constant 10 : i32
      %dma_start3A_115 = arith.constant 1280 : i32
      %dma_start3A_116 = arith.constant 0 : i32
      %dma_start3A_117 = tpu.memref_slice %arg6[%dma_start3A_115, %dma_start3A_116] : memref<3328x32xf32, #tpu.memory_space<vmem>> -> memref<128x32xf32, #tpu.memory_space<vmem>>
      %dma_start3A_118 = arith.constant 0 : i32
      %dma_start3A_119 = tpu.memref_slice %arg5[%dma_start3A_114, %dma_start3A_118] : memref<26x128xi32, #tpu.memory_space<vmem>> -> memref<1x128xi32, #tpu.memory_space<vmem>>
      %dma_start3A_120 = tpu.memref_squeeze %dma_start3A_119 : memref<1x128xi32, #tpu.memory_space<vmem>> -> memref<128xi32, #tpu.memory_space<vmem>>
      %dma_start3A_121 = arith.constant 0 : i32
      %dma_start3A_122 = arith.constant 0 : i32
      %dma_start3A_123 = tpu.memref_slice %arg3[%dma_start3A_121, %dma_start3A_122] : memref<2600000x32xf32, #tpu.memory_space<hbm>> -> memref<2600000x32xf32, #tpu.memory_space<hbm>>
      tpu.enqueue_indirect_dma source(%dma_start3A_123 : memref<2600000x32xf32, #tpu.memory_space<hbm>>) target(%dma_start3A_117 : memref<128x32xf32, #tpu.memory_space<vmem>>) offsets(%dma_start3A_120 : memref<128xi32, #tpu.memory_space<vmem>>) semaphore(%arg7 : memref<!tpu.dma_semaphore, #tpu.memory_space<semaphore_mem>>)
      %dma_start3A_124 = arith.constant 11 : i32
      %dma_start3A_125 = arith.constant 1408 : i32
      %dma_start3A_126 = arith.constant 0 : i32
      %dma_start3A_127 = tpu.memref_slice %arg6[%dma_start3A_125, %dma_start3A_126] : memref<3328x32xf32, #tpu.memory_space<vmem>> -> memref<128x32xf32, #tpu.memory_space<vmem>>
      %dma_start3A_128 = arith.constant 0 : i32
      %dma_start3A_129 = tpu.memref_slice %arg5[%dma_start3A_124, %dma_start3A_128] : memref<26x128xi32, #tpu.memory_space<vmem>> -> memref<1x128xi32, #tpu.memory_space<vmem>>
      %dma_start3A_130 = tpu.memref_squeeze %dma_start3A_129 : memref<1x128xi32, #tpu.memory_space<vmem>> -> memref<128xi32, #tpu.memory_space<vmem>>
      %dma_start3A_131 = arith.constant 0 : i32
      %dma_start3A_132 = arith.constant 0 : i32
      %dma_start3A_133 = tpu.memref_slice %arg3[%dma_start3A_131, %dma_start3A_132] : memref<2600000x32xf32, #tpu.memory_space<hbm>> -> memref<2600000x32xf32, #tpu.memory_space<hbm>>
      tpu.enqueue_indirect_dma source(%dma_start3A_133 : memref<2600000x32xf32, #tpu.memory_space<hbm>>) target(%dma_start3A_127 : memref<128x32xf32, #tpu.memory_space<vmem>>) offsets(%dma_start3A_130 : memref<128xi32, #tpu.memory_space<vmem>>) semaphore(%arg7 : memref<!tpu.dma_semaphore, #tpu.memory_space<semaphore_mem>>)
      %dma_start3A_134 = arith.constant 12 : i32
      %dma_start3A_135 = arith.constant 1536 : i32
      %dma_start3A_136 = arith.constant 0 : i32
      %dma_start3A_137 = tpu.memref_slice %arg6[%dma_start3A_135, %dma_start3A_136] : memref<3328x32xf32, #tpu.memory_space<vmem>> -> memref<128x32xf32, #tpu.memory_space<vmem>>
      %dma_start3A_138 = arith.constant 0 : i32
      %dma_start3A_139 = tpu.memref_slice %arg5[%dma_start3A_134, %dma_start3A_138] : memref<26x128xi32, #tpu.memory_space<vmem>> -> memref<1x128xi32, #tpu.memory_space<vmem>>
      %dma_start3A_140 = tpu.memref_squeeze %dma_start3A_139 : memref<1x128xi32, #tpu.memory_space<vmem>> -> memref<128xi32, #tpu.memory_space<vmem>>
      %dma_start3A_141 = arith.constant 0 : i32
      %dma_start3A_142 = arith.constant 0 : i32
      %dma_start3A_143 = tpu.memref_slice %arg3[%dma_start3A_141, %dma_start3A_142] : memref<2600000x32xf32, #tpu.memory_space<hbm>> -> memref<2600000x32xf32, #tpu.memory_space<hbm>>
      tpu.enqueue_indirect_dma source(%dma_start3A_143 : memref<2600000x32xf32, #tpu.memory_space<hbm>>) target(%dma_start3A_137 : memref<128x32xf32, #tpu.memory_space<vmem>>) offsets(%dma_start3A_140 : memref<128xi32, #tpu.memory_space<vmem>>) semaphore(%arg7 : memref<!tpu.dma_semaphore, #tpu.memory_space<semaphore_mem>>)
      %dma_start3A_144 = arith.constant 13 : i32
      %dma_start3A_145 = arith.constant 1664 : i32
      %dma_start3A_146 = arith.constant 0 : i32
      %dma_start3A_147 = tpu.memref_slice %arg6[%dma_start3A_145, %dma_start3A_146] : memref<3328x32xf32, #tpu.memory_space<vmem>> -> memref<128x32xf32, #tpu.memory_space<vmem>>
      %dma_start3A_148 = arith.constant 0 : i32
      %dma_start3A_149 = tpu.memref_slice %arg5[%dma_start3A_144, %dma_start3A_148] : memref<26x128xi32, #tpu.memory_space<vmem>> -> memref<1x128xi32, #tpu.memory_space<vmem>>
      %dma_start3A_150 = tpu.memref_squeeze %dma_start3A_149 : memref<1x128xi32, #tpu.memory_space<vmem>> -> memref<128xi32, #tpu.memory_space<vmem>>
      %dma_start3A_151 = arith.constant 0 : i32
      %dma_start3A_152 = arith.constant 0 : i32
      %dma_start3A_153 = tpu.memref_slice %arg3[%dma_start3A_151, %dma_start3A_152] : memref<2600000x32xf32, #tpu.memory_space<hbm>> -> memref<2600000x32xf32, #tpu.memory_space<hbm>>
      tpu.enqueue_indirect_dma source(%dma_start3A_153 : memref<2600000x32xf32, #tpu.memory_space<hbm>>) target(%dma_start3A_147 : memref<128x32xf32, #tpu.memory_space<vmem>>) offsets(%dma_start3A_150 : memref<128xi32, #tpu.memory_space<vmem>>) semaphore(%arg7 : memref<!tpu.dma_semaphore, #tpu.memory_space<semaphore_mem>>)
      %dma_start3A_154 = arith.constant 14 : i32
      %dma_start3A_155 = arith.constant 1792 : i32
      %dma_start3A_156 = arith.constant 0 : i32
      %dma_start3A_157 = tpu.memref_slice %arg6[%dma_start3A_155, %dma_start3A_156] : memref<3328x32xf32, #tpu.memory_space<vmem>> -> memref<128x32xf32, #tpu.memory_space<vmem>>
      %dma_start3A_158 = arith.constant 0 : i32
      %dma_start3A_159 = tpu.memref_slice %arg5[%dma_start3A_154, %dma_start3A_158] : memref<26x128xi32, #tpu.memory_space<vmem>> -> memref<1x128xi32, #tpu.memory_space<vmem>>
      %dma_start3A_160 = tpu.memref_squeeze %dma_start3A_159 : memref<1x128xi32, #tpu.memory_space<vmem>> -> memref<128xi32, #tpu.memory_space<vmem>>
      %dma_start3A_161 = arith.constant 0 : i32
      %dma_start3A_162 = arith.constant 0 : i32
      %dma_start3A_163 = tpu.memref_slice %arg3[%dma_start3A_161, %dma_start3A_162] : memref<2600000x32xf32, #tpu.memory_space<hbm>> -> memref<2600000x32xf32, #tpu.memory_space<hbm>>
      tpu.enqueue_indirect_dma source(%dma_start3A_163 : memref<2600000x32xf32, #tpu.memory_space<hbm>>) target(%dma_start3A_157 : memref<128x32xf32, #tpu.memory_space<vmem>>) offsets(%dma_start3A_160 : memref<128xi32, #tpu.memory_space<vmem>>) semaphore(%arg7 : memref<!tpu.dma_semaphore, #tpu.memory_space<semaphore_mem>>)
      %dma_start3A_164 = arith.constant 15 : i32
      %dma_start3A_165 = arith.constant 1920 : i32
      %dma_start3A_166 = arith.constant 0 : i32
      %dma_start3A_167 = tpu.memref_slice %arg6[%dma_start3A_165, %dma_start3A_166] : memref<3328x32xf32, #tpu.memory_space<vmem>> -> memref<128x32xf32, #tpu.memory_space<vmem>>
      %dma_start3A_168 = arith.constant 0 : i32
      %dma_start3A_169 = tpu.memref_slice %arg5[%dma_start3A_164, %dma_start3A_168] : memref<26x128xi32, #tpu.memory_space<vmem>> -> memref<1x128xi32, #tpu.memory_space<vmem>>
      %dma_start3A_170 = tpu.memref_squeeze %dma_start3A_169 : memref<1x128xi32, #tpu.memory_space<vmem>> -> memref<128xi32, #tpu.memory_space<vmem>>
      %dma_start3A_171 = arith.constant 0 : i32
      %dma_start3A_172 = arith.constant 0 : i32
      %dma_start3A_173 = tpu.memref_slice %arg3[%dma_start3A_171, %dma_start3A_172] : memref<2600000x32xf32, #tpu.memory_space<hbm>> -> memref<2600000x32xf32, #tpu.memory_space<hbm>>
      tpu.enqueue_indirect_dma source(%dma_start3A_173 : memref<2600000x32xf32, #tpu.memory_space<hbm>>) target(%dma_start3A_167 : memref<128x32xf32, #tpu.memory_space<vmem>>) offsets(%dma_start3A_170 : memref<128xi32, #tpu.memory_space<vmem>>) semaphore(%arg7 : memref<!tpu.dma_semaphore, #tpu.memory_space<semaphore_mem>>)
      %dma_start3A_174 = arith.constant 16 : i32
      %dma_start3A_175 = arith.constant 2048 : i32
      %dma_start3A_176 = arith.constant 0 : i32
      %dma_start3A_177 = tpu.memref_slice %arg6[%dma_start3A_175, %dma_start3A_176] : memref<3328x32xf32, #tpu.memory_space<vmem>> -> memref<128x32xf32, #tpu.memory_space<vmem>>
      %dma_start3A_178 = arith.constant 0 : i32
      %dma_start3A_179 = tpu.memref_slice %arg5[%dma_start3A_174, %dma_start3A_178] : memref<26x128xi32, #tpu.memory_space<vmem>> -> memref<1x128xi32, #tpu.memory_space<vmem>>
      %dma_start3A_180 = tpu.memref_squeeze %dma_start3A_179 : memref<1x128xi32, #tpu.memory_space<vmem>> -> memref<128xi32, #tpu.memory_space<vmem>>
      %dma_start3A_181 = arith.constant 0 : i32
      %dma_start3A_182 = arith.constant 0 : i32
      %dma_start3A_183 = tpu.memref_slice %arg3[%dma_start3A_181, %dma_start3A_182] : memref<2600000x32xf32, #tpu.memory_space<hbm>> -> memref<2600000x32xf32, #tpu.memory_space<hbm>>
      tpu.enqueue_indirect_dma source(%dma_start3A_183 : memref<2600000x32xf32, #tpu.memory_space<hbm>>) target(%dma_start3A_177 : memref<128x32xf32, #tpu.memory_space<vmem>>) offsets(%dma_start3A_180 : memref<128xi32, #tpu.memory_space<vmem>>) semaphore(%arg7 : memref<!tpu.dma_semaphore, #tpu.memory_space<semaphore_mem>>)
      %dma_start3A_184 = arith.constant 17 : i32
      %dma_start3A_185 = arith.constant 2176 : i32
      %dma_start3A_186 = arith.constant 0 : i32
      %dma_start3A_187 = tpu.memref_slice %arg6[%dma_start3A_185, %dma_start3A_186] : memref<3328x32xf32, #tpu.memory_space<vmem>> -> memref<128x32xf32, #tpu.memory_space<vmem>>
      %dma_start3A_188 = arith.constant 0 : i32
      %dma_start3A_189 = tpu.memref_slice %arg5[%dma_start3A_184, %dma_start3A_188] : memref<26x128xi32, #tpu.memory_space<vmem>> -> memref<1x128xi32, #tpu.memory_space<vmem>>
      %dma_start3A_190 = tpu.memref_squeeze %dma_start3A_189 : memref<1x128xi32, #tpu.memory_space<vmem>> -> memref<128xi32, #tpu.memory_space<vmem>>
      %dma_start3A_191 = arith.constant 0 : i32
      %dma_start3A_192 = arith.constant 0 : i32
      %dma_start3A_193 = tpu.memref_slice %arg3[%dma_start3A_191, %dma_start3A_192] : memref<2600000x32xf32, #tpu.memory_space<hbm>> -> memref<2600000x32xf32, #tpu.memory_space<hbm>>
      tpu.enqueue_indirect_dma source(%dma_start3A_193 : memref<2600000x32xf32, #tpu.memory_space<hbm>>) target(%dma_start3A_187 : memref<128x32xf32, #tpu.memory_space<vmem>>) offsets(%dma_start3A_190 : memref<128xi32, #tpu.memory_space<vmem>>) semaphore(%arg7 : memref<!tpu.dma_semaphore, #tpu.memory_space<semaphore_mem>>)
      %dma_start3A_194 = arith.constant 18 : i32
      %dma_start3A_195 = arith.constant 2304 : i32
      %dma_start3A_196 = arith.constant 0 : i32
      %dma_start3A_197 = tpu.memref_slice %arg6[%dma_start3A_195, %dma_start3A_196] : memref<3328x32xf32, #tpu.memory_space<vmem>> -> memref<128x32xf32, #tpu.memory_space<vmem>>
      %dma_start3A_198 = arith.constant 0 : i32
      %dma_start3A_199 = tpu.memref_slice %arg5[%dma_start3A_194, %dma_start3A_198] : memref<26x128xi32, #tpu.memory_space<vmem>> -> memref<1x128xi32, #tpu.memory_space<vmem>>
      %dma_start3A_200 = tpu.memref_squeeze %dma_start3A_199 : memref<1x128xi32, #tpu.memory_space<vmem>> -> memref<128xi32, #tpu.memory_space<vmem>>
      %dma_start3A_201 = arith.constant 0 : i32
      %dma_start3A_202 = arith.constant 0 : i32
      %dma_start3A_203 = tpu.memref_slice %arg3[%dma_start3A_201, %dma_start3A_202] : memref<2600000x32xf32, #tpu.memory_space<hbm>> -> memref<2600000x32xf32, #tpu.memory_space<hbm>>
      tpu.enqueue_indirect_dma source(%dma_start3A_203 : memref<2600000x32xf32, #tpu.memory_space<hbm>>) target(%dma_start3A_197 : memref<128x32xf32, #tpu.memory_space<vmem>>) offsets(%dma_start3A_200 : memref<128xi32, #tpu.memory_space<vmem>>) semaphore(%arg7 : memref<!tpu.dma_semaphore, #tpu.memory_space<semaphore_mem>>)
      %dma_start3A_204 = arith.constant 19 : i32
      %dma_start3A_205 = arith.constant 2432 : i32
      %dma_start3A_206 = arith.constant 0 : i32
      %dma_start3A_207 = tpu.memref_slice %arg6[%dma_start3A_205, %dma_start3A_206] : memref<3328x32xf32, #tpu.memory_space<vmem>> -> memref<128x32xf32, #tpu.memory_space<vmem>>
      %dma_start3A_208 = arith.constant 0 : i32
      %dma_start3A_209 = tpu.memref_slice %arg5[%dma_start3A_204, %dma_start3A_208] : memref<26x128xi32, #tpu.memory_space<vmem>> -> memref<1x128xi32, #tpu.memory_space<vmem>>
      %dma_start3A_210 = tpu.memref_squeeze %dma_start3A_209 : memref<1x128xi32, #tpu.memory_space<vmem>> -> memref<128xi32, #tpu.memory_space<vmem>>
      %dma_start3A_211 = arith.constant 0 : i32
      %dma_start3A_212 = arith.constant 0 : i32
      %dma_start3A_213 = tpu.memref_slice %arg3[%dma_start3A_211, %dma_start3A_212] : memref<2600000x32xf32, #tpu.memory_space<hbm>> -> memref<2600000x32xf32, #tpu.memory_space<hbm>>
      tpu.enqueue_indirect_dma source(%dma_start3A_213 : memref<2600000x32xf32, #tpu.memory_space<hbm>>) target(%dma_start3A_207 : memref<128x32xf32, #tpu.memory_space<vmem>>) offsets(%dma_start3A_210 : memref<128xi32, #tpu.memory_space<vmem>>) semaphore(%arg7 : memref<!tpu.dma_semaphore, #tpu.memory_space<semaphore_mem>>)
      %dma_start3A_214 = arith.constant 20 : i32
      %dma_start3A_215 = arith.constant 2560 : i32
      %dma_start3A_216 = arith.constant 0 : i32
      %dma_start3A_217 = tpu.memref_slice %arg6[%dma_start3A_215, %dma_start3A_216] : memref<3328x32xf32, #tpu.memory_space<vmem>> -> memref<128x32xf32, #tpu.memory_space<vmem>>
      %dma_start3A_218 = arith.constant 0 : i32
      %dma_start3A_219 = tpu.memref_slice %arg5[%dma_start3A_214, %dma_start3A_218] : memref<26x128xi32, #tpu.memory_space<vmem>> -> memref<1x128xi32, #tpu.memory_space<vmem>>
      %dma_start3A_220 = tpu.memref_squeeze %dma_start3A_219 : memref<1x128xi32, #tpu.memory_space<vmem>> -> memref<128xi32, #tpu.memory_space<vmem>>
      %dma_start3A_221 = arith.constant 0 : i32
      %dma_start3A_222 = arith.constant 0 : i32
      %dma_start3A_223 = tpu.memref_slice %arg3[%dma_start3A_221, %dma_start3A_222] : memref<2600000x32xf32, #tpu.memory_space<hbm>> -> memref<2600000x32xf32, #tpu.memory_space<hbm>>
      tpu.enqueue_indirect_dma source(%dma_start3A_223 : memref<2600000x32xf32, #tpu.memory_space<hbm>>) target(%dma_start3A_217 : memref<128x32xf32, #tpu.memory_space<vmem>>) offsets(%dma_start3A_220 : memref<128xi32, #tpu.memory_space<vmem>>) semaphore(%arg7 : memref<!tpu.dma_semaphore, #tpu.memory_space<semaphore_mem>>)
      %dma_start3A_224 = arith.constant 21 : i32
      %dma_start3A_225 = arith.constant 2688 : i32
      %dma_start3A_226 = arith.constant 0 : i32
      %dma_start3A_227 = tpu.memref_slice %arg6[%dma_start3A_225, %dma_start3A_226] : memref<3328x32xf32, #tpu.memory_space<vmem>> -> memref<128x32xf32, #tpu.memory_space<vmem>>
      %dma_start3A_228 = arith.constant 0 : i32
      %dma_start3A_229 = tpu.memref_slice %arg5[%dma_start3A_224, %dma_start3A_228] : memref<26x128xi32, #tpu.memory_space<vmem>> -> memref<1x128xi32, #tpu.memory_space<vmem>>
      %dma_start3A_230 = tpu.memref_squeeze %dma_start3A_229 : memref<1x128xi32, #tpu.memory_space<vmem>> -> memref<128xi32, #tpu.memory_space<vmem>>
      %dma_start3A_231 = arith.constant 0 : i32
      %dma_start3A_232 = arith.constant 0 : i32
      %dma_start3A_233 = tpu.memref_slice %arg3[%dma_start3A_231, %dma_start3A_232] : memref<2600000x32xf32, #tpu.memory_space<hbm>> -> memref<2600000x32xf32, #tpu.memory_space<hbm>>
      tpu.enqueue_indirect_dma source(%dma_start3A_233 : memref<2600000x32xf32, #tpu.memory_space<hbm>>) target(%dma_start3A_227 : memref<128x32xf32, #tpu.memory_space<vmem>>) offsets(%dma_start3A_230 : memref<128xi32, #tpu.memory_space<vmem>>) semaphore(%arg7 : memref<!tpu.dma_semaphore, #tpu.memory_space<semaphore_mem>>)
      %dma_start3A_234 = arith.constant 22 : i32
      %dma_start3A_235 = arith.constant 2816 : i32
      %dma_start3A_236 = arith.constant 0 : i32
      %dma_start3A_237 = tpu.memref_slice %arg6[%dma_start3A_235, %dma_start3A_236] : memref<3328x32xf32, #tpu.memory_space<vmem>> -> memref<128x32xf32, #tpu.memory_space<vmem>>
      %dma_start3A_238 = arith.constant 0 : i32
      %dma_start3A_239 = tpu.memref_slice %arg5[%dma_start3A_234, %dma_start3A_238] : memref<26x128xi32, #tpu.memory_space<vmem>> -> memref<1x128xi32, #tpu.memory_space<vmem>>
      %dma_start3A_240 = tpu.memref_squeeze %dma_start3A_239 : memref<1x128xi32, #tpu.memory_space<vmem>> -> memref<128xi32, #tpu.memory_space<vmem>>
      %dma_start3A_241 = arith.constant 0 : i32
      %dma_start3A_242 = arith.constant 0 : i32
      %dma_start3A_243 = tpu.memref_slice %arg3[%dma_start3A_241, %dma_start3A_242] : memref<2600000x32xf32, #tpu.memory_space<hbm>> -> memref<2600000x32xf32, #tpu.memory_space<hbm>>
      tpu.enqueue_indirect_dma source(%dma_start3A_243 : memref<2600000x32xf32, #tpu.memory_space<hbm>>) target(%dma_start3A_237 : memref<128x32xf32, #tpu.memory_space<vmem>>) offsets(%dma_start3A_240 : memref<128xi32, #tpu.memory_space<vmem>>) semaphore(%arg7 : memref<!tpu.dma_semaphore, #tpu.memory_space<semaphore_mem>>)
      %dma_start3A_244 = arith.constant 23 : i32
      %dma_start3A_245 = arith.constant 2944 : i32
      %dma_start3A_246 = arith.constant 0 : i32
      %dma_start3A_247 = tpu.memref_slice %arg6[%dma_start3A_245, %dma_start3A_246] : memref<3328x32xf32, #tpu.memory_space<vmem>> -> memref<128x32xf32, #tpu.memory_space<vmem>>
      %dma_start3A_248 = arith.constant 0 : i32
      %dma_start3A_249 = tpu.memref_slice %arg5[%dma_start3A_244, %dma_start3A_248] : memref<26x128xi32, #tpu.memory_space<vmem>> -> memref<1x128xi32, #tpu.memory_space<vmem>>
      %dma_start3A_250 = tpu.memref_squeeze %dma_start3A_249 : memref<1x128xi32, #tpu.memory_space<vmem>> -> memref<128xi32, #tpu.memory_space<vmem>>
      %dma_start3A_251 = arith.constant 0 : i32
      %dma_start3A_252 = arith.constant 0 : i32
      %dma_start3A_253 = tpu.memref_slice %arg3[%dma_start3A_251, %dma_start3A_252] : memref<2600000x32xf32, #tpu.memory_space<hbm>> -> memref<2600000x32xf32, #tpu.memory_space<hbm>>
      tpu.enqueue_indirect_dma source(%dma_start3A_253 : memref<2600000x32xf32, #tpu.memory_space<hbm>>) target(%dma_start3A_247 : memref<128x32xf32, #tpu.memory_space<vmem>>) offsets(%dma_start3A_250 : memref<128xi32, #tpu.memory_space<vmem>>) semaphore(%arg7 : memref<!tpu.dma_semaphore, #tpu.memory_space<semaphore_mem>>)
      %dma_start3A_254 = arith.constant 24 : i32
      %dma_start3A_255 = arith.constant 3072 : i32
      %dma_start3A_256 = arith.constant 0 : i32
      %dma_start3A_257 = tpu.memref_slice %arg6[%dma_start3A_255, %dma_start3A_256] : memref<3328x32xf32, #tpu.memory_space<vmem>> -> memref<128x32xf32, #tpu.memory_space<vmem>>
      %dma_start3A_258 = arith.constant 0 : i32
      %dma_start3A_259 = tpu.memref_slice %arg5[%dma_start3A_254, %dma_start3A_258] : memref<26x128xi32, #tpu.memory_space<vmem>> -> memref<1x128xi32, #tpu.memory_space<vmem>>
      %dma_start3A_260 = tpu.memref_squeeze %dma_start3A_259 : memref<1x128xi32, #tpu.memory_space<vmem>> -> memref<128xi32, #tpu.memory_space<vmem>>
      %dma_start3A_261 = arith.constant 0 : i32
      %dma_start3A_262 = arith.constant 0 : i32
      %dma_start3A_263 = tpu.memref_slice %arg3[%dma_start3A_261, %dma_start3A_262] : memref<2600000x32xf32, #tpu.memory_space<hbm>> -> memref<2600000x32xf32, #tpu.memory_space<hbm>>
      tpu.enqueue_indirect_dma source(%dma_start3A_263 : memref<2600000x32xf32, #tpu.memory_space<hbm>>) target(%dma_start3A_257 : memref<128x32xf32, #tpu.memory_space<vmem>>) offsets(%dma_start3A_260 : memref<128xi32, #tpu.memory_space<vmem>>) semaphore(%arg7 : memref<!tpu.dma_semaphore, #tpu.memory_space<semaphore_mem>>)
      %dma_start3A_264 = arith.constant 25 : i32
      %dma_start3A_265 = arith.constant 3200 : i32
      %dma_start3A_266 = arith.constant 0 : i32
      %dma_start3A_267 = tpu.memref_slice %arg6[%dma_start3A_265, %dma_start3A_266] : memref<3328x32xf32, #tpu.memory_space<vmem>> -> memref<128x32xf32, #tpu.memory_space<vmem>>
      %dma_start3A_268 = arith.constant 0 : i32
      %dma_start3A_269 = tpu.memref_slice %arg5[%dma_start3A_264, %dma_start3A_268] : memref<26x128xi32, #tpu.memory_space<vmem>> -> memref<1x128xi32, #tpu.memory_space<vmem>>
      %dma_start3A_270 = tpu.memref_squeeze %dma_start3A_269 : memref<1x128xi32, #tpu.memory_space<vmem>> -> memref<128xi32, #tpu.memory_space<vmem>>
      %dma_start3A_271 = arith.constant 0 : i32
      %dma_start3A_272 = arith.constant 0 : i32
      %dma_start3A_273 = tpu.memref_slice %arg3[%dma_start3A_271, %dma_start3A_272] : memref<2600000x32xf32, #tpu.memory_space<hbm>> -> memref<2600000x32xf32, #tpu.memory_space<hbm>>
      tpu.enqueue_indirect_dma source(%dma_start3A_273 : memref<2600000x32xf32, #tpu.memory_space<hbm>>) target(%dma_start3A_267 : memref<128x32xf32, #tpu.memory_space<vmem>>) offsets(%dma_start3A_270 : memref<128xi32, #tpu.memory_space<vmem>>) semaphore(%arg7 : memref<!tpu.dma_semaphore, #tpu.memory_space<semaphore_mem>>)
      %dma_wait3A = arith.constant 0 : i32
      %dma_wait3A_274 = arith.constant 0 : i32
      %dma_wait3A_275 = arith.constant 0 : i32
      %dma_wait3A_276 = tpu.memref_slice %arg6[%dma_wait3A_274, %dma_wait3A_275] : memref<3328x32xf32, #tpu.memory_space<vmem>> -> memref<128x32xf32, #tpu.memory_space<vmem>>
      %dma_wait3A_277 = arith.constant 0 : i32
      %dma_wait3A_278 = tpu.memref_slice %arg5[%dma_wait3A, %dma_wait3A_277] : memref<26x128xi32, #tpu.memory_space<vmem>> -> memref<1x128xi32, #tpu.memory_space<vmem>>
      %dma_wait3A_279 = tpu.memref_squeeze %dma_wait3A_278 : memref<1x128xi32, #tpu.memory_space<vmem>> -> memref<128xi32, #tpu.memory_space<vmem>>
      %dma_wait3A_280 = arith.constant 0 : i32
      %dma_wait3A_281 = arith.constant 0 : i32
      %dma_wait3A_282 = tpu.memref_slice %arg3[%dma_wait3A_280, %dma_wait3A_281] : memref<2600000x32xf32, #tpu.memory_space<hbm>> -> memref<2600000x32xf32, #tpu.memory_space<hbm>>
      tpu.wait_indirect_dma semaphore(%arg7 : memref<!tpu.dma_semaphore, #tpu.memory_space<semaphore_mem>>) src(%dma_wait3A_282 : memref<2600000x32xf32, #tpu.memory_space<hbm>>) dst(%dma_wait3A_276 : memref<128x32xf32, #tpu.memory_space<vmem>>)
      %dma_wait3A_283 = arith.constant 1 : i32
      %dma_wait3A_284 = arith.constant 128 : i32
      %dma_wait3A_285 = arith.constant 0 : i32
      %dma_wait3A_286 = tpu.memref_slice %arg6[%dma_wait3A_284, %dma_wait3A_285] : memref<3328x32xf32, #tpu.memory_space<vmem>> -> memref<128x32xf32, #tpu.memory_space<vmem>>
      %dma_wait3A_287 = arith.constant 0 : i32
      %dma_wait3A_288 = tpu.memref_slice %arg5[%dma_wait3A_283, %dma_wait3A_287] : memref<26x128xi32, #tpu.memory_space<vmem>> -> memref<1x128xi32, #tpu.memory_space<vmem>>
      %dma_wait3A_289 = tpu.memref_squeeze %dma_wait3A_288 : memref<1x128xi32, #tpu.memory_space<vmem>> -> memref<128xi32, #tpu.memory_space<vmem>>
      %dma_wait3A_290 = arith.constant 0 : i32
      %dma_wait3A_291 = arith.constant 0 : i32
      %dma_wait3A_292 = tpu.memref_slice %arg3[%dma_wait3A_290, %dma_wait3A_291] : memref<2600000x32xf32, #tpu.memory_space<hbm>> -> memref<2600000x32xf32, #tpu.memory_space<hbm>>
      tpu.wait_indirect_dma semaphore(%arg7 : memref<!tpu.dma_semaphore, #tpu.memory_space<semaphore_mem>>) src(%dma_wait3A_292 : memref<2600000x32xf32, #tpu.memory_space<hbm>>) dst(%dma_wait3A_286 : memref<128x32xf32, #tpu.memory_space<vmem>>)
      %dma_wait3A_293 = arith.constant 2 : i32
      %dma_wait3A_294 = arith.constant 256 : i32
      %dma_wait3A_295 = arith.constant 0 : i32
      %dma_wait3A_296 = tpu.memref_slice %arg6[%dma_wait3A_294, %dma_wait3A_295] : memref<3328x32xf32, #tpu.memory_space<vmem>> -> memref<128x32xf32, #tpu.memory_space<vmem>>
      %dma_wait3A_297 = arith.constant 0 : i32
      %dma_wait3A_298 = tpu.memref_slice %arg5[%dma_wait3A_293, %dma_wait3A_297] : memref<26x128xi32, #tpu.memory_space<vmem>> -> memref<1x128xi32, #tpu.memory_space<vmem>>
      %dma_wait3A_299 = tpu.memref_squeeze %dma_wait3A_298 : memref<1x128xi32, #tpu.memory_space<vmem>> -> memref<128xi32, #tpu.memory_space<vmem>>
      %dma_wait3A_300 = arith.constant 0 : i32
      %dma_wait3A_301 = arith.constant 0 : i32
      %dma_wait3A_302 = tpu.memref_slice %arg3[%dma_wait3A_300, %dma_wait3A_301] : memref<2600000x32xf32, #tpu.memory_space<hbm>> -> memref<2600000x32xf32, #tpu.memory_space<hbm>>
      tpu.wait_indirect_dma semaphore(%arg7 : memref<!tpu.dma_semaphore, #tpu.memory_space<semaphore_mem>>) src(%dma_wait3A_302 : memref<2600000x32xf32, #tpu.memory_space<hbm>>) dst(%dma_wait3A_296 : memref<128x32xf32, #tpu.memory_space<vmem>>)
      %dma_wait3A_303 = arith.constant 3 : i32
      %dma_wait3A_304 = arith.constant 384 : i32
      %dma_wait3A_305 = arith.constant 0 : i32
      %dma_wait3A_306 = tpu.memref_slice %arg6[%dma_wait3A_304, %dma_wait3A_305] : memref<3328x32xf32, #tpu.memory_space<vmem>> -> memref<128x32xf32, #tpu.memory_space<vmem>>
      %dma_wait3A_307 = arith.constant 0 : i32
      %dma_wait3A_308 = tpu.memref_slice %arg5[%dma_wait3A_303, %dma_wait3A_307] : memref<26x128xi32, #tpu.memory_space<vmem>> -> memref<1x128xi32, #tpu.memory_space<vmem>>
      %dma_wait3A_309 = tpu.memref_squeeze %dma_wait3A_308 : memref<1x128xi32, #tpu.memory_space<vmem>> -> memref<128xi32, #tpu.memory_space<vmem>>
      %dma_wait3A_310 = arith.constant 0 : i32
      %dma_wait3A_311 = arith.constant 0 : i32
      %dma_wait3A_312 = tpu.memref_slice %arg3[%dma_wait3A_310, %dma_wait3A_311] : memref<2600000x32xf32, #tpu.memory_space<hbm>> -> memref<2600000x32xf32, #tpu.memory_space<hbm>>
      tpu.wait_indirect_dma semaphore(%arg7 : memref<!tpu.dma_semaphore, #tpu.memory_space<semaphore_mem>>) src(%dma_wait3A_312 : memref<2600000x32xf32, #tpu.memory_space<hbm>>) dst(%dma_wait3A_306 : memref<128x32xf32, #tpu.memory_space<vmem>>)
      %dma_wait3A_313 = arith.constant 4 : i32
      %dma_wait3A_314 = arith.constant 512 : i32
      %dma_wait3A_315 = arith.constant 0 : i32
      %dma_wait3A_316 = tpu.memref_slice %arg6[%dma_wait3A_314, %dma_wait3A_315] : memref<3328x32xf32, #tpu.memory_space<vmem>> -> memref<128x32xf32, #tpu.memory_space<vmem>>
      %dma_wait3A_317 = arith.constant 0 : i32
      %dma_wait3A_318 = tpu.memref_slice %arg5[%dma_wait3A_313, %dma_wait3A_317] : memref<26x128xi32, #tpu.memory_space<vmem>> -> memref<1x128xi32, #tpu.memory_space<vmem>>
      %dma_wait3A_319 = tpu.memref_squeeze %dma_wait3A_318 : memref<1x128xi32, #tpu.memory_space<vmem>> -> memref<128xi32, #tpu.memory_space<vmem>>
      %dma_wait3A_320 = arith.constant 0 : i32
      %dma_wait3A_321 = arith.constant 0 : i32
      %dma_wait3A_322 = tpu.memref_slice %arg3[%dma_wait3A_320, %dma_wait3A_321] : memref<2600000x32xf32, #tpu.memory_space<hbm>> -> memref<2600000x32xf32, #tpu.memory_space<hbm>>
      tpu.wait_indirect_dma semaphore(%arg7 : memref<!tpu.dma_semaphore, #tpu.memory_space<semaphore_mem>>) src(%dma_wait3A_322 : memref<2600000x32xf32, #tpu.memory_space<hbm>>) dst(%dma_wait3A_316 : memref<128x32xf32, #tpu.memory_space<vmem>>)
      %dma_wait3A_323 = arith.constant 5 : i32
      %dma_wait3A_324 = arith.constant 640 : i32
      %dma_wait3A_325 = arith.constant 0 : i32
      %dma_wait3A_326 = tpu.memref_slice %arg6[%dma_wait3A_324, %dma_wait3A_325] : memref<3328x32xf32, #tpu.memory_space<vmem>> -> memref<128x32xf32, #tpu.memory_space<vmem>>
      %dma_wait3A_327 = arith.constant 0 : i32
      %dma_wait3A_328 = tpu.memref_slice %arg5[%dma_wait3A_323, %dma_wait3A_327] : memref<26x128xi32, #tpu.memory_space<vmem>> -> memref<1x128xi32, #tpu.memory_space<vmem>>
      %dma_wait3A_329 = tpu.memref_squeeze %dma_wait3A_328 : memref<1x128xi32, #tpu.memory_space<vmem>> -> memref<128xi32, #tpu.memory_space<vmem>>
      %dma_wait3A_330 = arith.constant 0 : i32
      %dma_wait3A_331 = arith.constant 0 : i32
      %dma_wait3A_332 = tpu.memref_slice %arg3[%dma_wait3A_330, %dma_wait3A_331] : memref<2600000x32xf32, #tpu.memory_space<hbm>> -> memref<2600000x32xf32, #tpu.memory_space<hbm>>
      tpu.wait_indirect_dma semaphore(%arg7 : memref<!tpu.dma_semaphore, #tpu.memory_space<semaphore_mem>>) src(%dma_wait3A_332 : memref<2600000x32xf32, #tpu.memory_space<hbm>>) dst(%dma_wait3A_326 : memref<128x32xf32, #tpu.memory_space<vmem>>)
      %dma_wait3A_333 = arith.constant 6 : i32
      %dma_wait3A_334 = arith.constant 768 : i32
      %dma_wait3A_335 = arith.constant 0 : i32
      %dma_wait3A_336 = tpu.memref_slice %arg6[%dma_wait3A_334, %dma_wait3A_335] : memref<3328x32xf32, #tpu.memory_space<vmem>> -> memref<128x32xf32, #tpu.memory_space<vmem>>
      %dma_wait3A_337 = arith.constant 0 : i32
      %dma_wait3A_338 = tpu.memref_slice %arg5[%dma_wait3A_333, %dma_wait3A_337] : memref<26x128xi32, #tpu.memory_space<vmem>> -> memref<1x128xi32, #tpu.memory_space<vmem>>
      %dma_wait3A_339 = tpu.memref_squeeze %dma_wait3A_338 : memref<1x128xi32, #tpu.memory_space<vmem>> -> memref<128xi32, #tpu.memory_space<vmem>>
      %dma_wait3A_340 = arith.constant 0 : i32
      %dma_wait3A_341 = arith.constant 0 : i32
      %dma_wait3A_342 = tpu.memref_slice %arg3[%dma_wait3A_340, %dma_wait3A_341] : memref<2600000x32xf32, #tpu.memory_space<hbm>> -> memref<2600000x32xf32, #tpu.memory_space<hbm>>
      tpu.wait_indirect_dma semaphore(%arg7 : memref<!tpu.dma_semaphore, #tpu.memory_space<semaphore_mem>>) src(%dma_wait3A_342 : memref<2600000x32xf32, #tpu.memory_space<hbm>>) dst(%dma_wait3A_336 : memref<128x32xf32, #tpu.memory_space<vmem>>)
      %dma_wait3A_343 = arith.constant 7 : i32
      %dma_wait3A_344 = arith.constant 896 : i32
      %dma_wait3A_345 = arith.constant 0 : i32
      %dma_wait3A_346 = tpu.memref_slice %arg6[%dma_wait3A_344, %dma_wait3A_345] : memref<3328x32xf32, #tpu.memory_space<vmem>> -> memref<128x32xf32, #tpu.memory_space<vmem>>
      %dma_wait3A_347 = arith.constant 0 : i32
      %dma_wait3A_348 = tpu.memref_slice %arg5[%dma_wait3A_343, %dma_wait3A_347] : memref<26x128xi32, #tpu.memory_space<vmem>> -> memref<1x128xi32, #tpu.memory_space<vmem>>
      %dma_wait3A_349 = tpu.memref_squeeze %dma_wait3A_348 : memref<1x128xi32, #tpu.memory_space<vmem>> -> memref<128xi32, #tpu.memory_space<vmem>>
      %dma_wait3A_350 = arith.constant 0 : i32
      %dma_wait3A_351 = arith.constant 0 : i32
      %dma_wait3A_352 = tpu.memref_slice %arg3[%dma_wait3A_350, %dma_wait3A_351] : memref<2600000x32xf32, #tpu.memory_space<hbm>> -> memref<2600000x32xf32, #tpu.memory_space<hbm>>
      tpu.wait_indirect_dma semaphore(%arg7 : memref<!tpu.dma_semaphore, #tpu.memory_space<semaphore_mem>>) src(%dma_wait3A_352 : memref<2600000x32xf32, #tpu.memory_space<hbm>>) dst(%dma_wait3A_346 : memref<128x32xf32, #tpu.memory_space<vmem>>)
      %dma_wait3A_353 = arith.constant 8 : i32
      %dma_wait3A_354 = arith.constant 1024 : i32
      %dma_wait3A_355 = arith.constant 0 : i32
      %dma_wait3A_356 = tpu.memref_slice %arg6[%dma_wait3A_354, %dma_wait3A_355] : memref<3328x32xf32, #tpu.memory_space<vmem>> -> memref<128x32xf32, #tpu.memory_space<vmem>>
      %dma_wait3A_357 = arith.constant 0 : i32
      %dma_wait3A_358 = tpu.memref_slice %arg5[%dma_wait3A_353, %dma_wait3A_357] : memref<26x128xi32, #tpu.memory_space<vmem>> -> memref<1x128xi32, #tpu.memory_space<vmem>>
      %dma_wait3A_359 = tpu.memref_squeeze %dma_wait3A_358 : memref<1x128xi32, #tpu.memory_space<vmem>> -> memref<128xi32, #tpu.memory_space<vmem>>
      %dma_wait3A_360 = arith.constant 0 : i32
      %dma_wait3A_361 = arith.constant 0 : i32
      %dma_wait3A_362 = tpu.memref_slice %arg3[%dma_wait3A_360, %dma_wait3A_361] : memref<2600000x32xf32, #tpu.memory_space<hbm>> -> memref<2600000x32xf32, #tpu.memory_space<hbm>>
      tpu.wait_indirect_dma semaphore(%arg7 : memref<!tpu.dma_semaphore, #tpu.memory_space<semaphore_mem>>) src(%dma_wait3A_362 : memref<2600000x32xf32, #tpu.memory_space<hbm>>) dst(%dma_wait3A_356 : memref<128x32xf32, #tpu.memory_space<vmem>>)
      %dma_wait3A_363 = arith.constant 9 : i32
      %dma_wait3A_364 = arith.constant 1152 : i32
      %dma_wait3A_365 = arith.constant 0 : i32
      %dma_wait3A_366 = tpu.memref_slice %arg6[%dma_wait3A_364, %dma_wait3A_365] : memref<3328x32xf32, #tpu.memory_space<vmem>> -> memref<128x32xf32, #tpu.memory_space<vmem>>
      %dma_wait3A_367 = arith.constant 0 : i32
      %dma_wait3A_368 = tpu.memref_slice %arg5[%dma_wait3A_363, %dma_wait3A_367] : memref<26x128xi32, #tpu.memory_space<vmem>> -> memref<1x128xi32, #tpu.memory_space<vmem>>
      %dma_wait3A_369 = tpu.memref_squeeze %dma_wait3A_368 : memref<1x128xi32, #tpu.memory_space<vmem>> -> memref<128xi32, #tpu.memory_space<vmem>>
      %dma_wait3A_370 = arith.constant 0 : i32
      %dma_wait3A_371 = arith.constant 0 : i32
      %dma_wait3A_372 = tpu.memref_slice %arg3[%dma_wait3A_370, %dma_wait3A_371] : memref<2600000x32xf32, #tpu.memory_space<hbm>> -> memref<2600000x32xf32, #tpu.memory_space<hbm>>
      tpu.wait_indirect_dma semaphore(%arg7 : memref<!tpu.dma_semaphore, #tpu.memory_space<semaphore_mem>>) src(%dma_wait3A_372 : memref<2600000x32xf32, #tpu.memory_space<hbm>>) dst(%dma_wait3A_366 : memref<128x32xf32, #tpu.memory_space<vmem>>)
      %dma_wait3A_373 = arith.constant 10 : i32
      %dma_wait3A_374 = arith.constant 1280 : i32
      %dma_wait3A_375 = arith.constant 0 : i32
      %dma_wait3A_376 = tpu.memref_slice %arg6[%dma_wait3A_374, %dma_wait3A_375] : memref<3328x32xf32, #tpu.memory_space<vmem>> -> memref<128x32xf32, #tpu.memory_space<vmem>>
      %dma_wait3A_377 = arith.constant 0 : i32
      %dma_wait3A_378 = tpu.memref_slice %arg5[%dma_wait3A_373, %dma_wait3A_377] : memref<26x128xi32, #tpu.memory_space<vmem>> -> memref<1x128xi32, #tpu.memory_space<vmem>>
      %dma_wait3A_379 = tpu.memref_squeeze %dma_wait3A_378 : memref<1x128xi32, #tpu.memory_space<vmem>> -> memref<128xi32, #tpu.memory_space<vmem>>
      %dma_wait3A_380 = arith.constant 0 : i32
      %dma_wait3A_381 = arith.constant 0 : i32
      %dma_wait3A_382 = tpu.memref_slice %arg3[%dma_wait3A_380, %dma_wait3A_381] : memref<2600000x32xf32, #tpu.memory_space<hbm>> -> memref<2600000x32xf32, #tpu.memory_space<hbm>>
      tpu.wait_indirect_dma semaphore(%arg7 : memref<!tpu.dma_semaphore, #tpu.memory_space<semaphore_mem>>) src(%dma_wait3A_382 : memref<2600000x32xf32, #tpu.memory_space<hbm>>) dst(%dma_wait3A_376 : memref<128x32xf32, #tpu.memory_space<vmem>>)
      %dma_wait3A_383 = arith.constant 11 : i32
      %dma_wait3A_384 = arith.constant 1408 : i32
      %dma_wait3A_385 = arith.constant 0 : i32
      %dma_wait3A_386 = tpu.memref_slice %arg6[%dma_wait3A_384, %dma_wait3A_385] : memref<3328x32xf32, #tpu.memory_space<vmem>> -> memref<128x32xf32, #tpu.memory_space<vmem>>
      %dma_wait3A_387 = arith.constant 0 : i32
      %dma_wait3A_388 = tpu.memref_slice %arg5[%dma_wait3A_383, %dma_wait3A_387] : memref<26x128xi32, #tpu.memory_space<vmem>> -> memref<1x128xi32, #tpu.memory_space<vmem>>
      %dma_wait3A_389 = tpu.memref_squeeze %dma_wait3A_388 : memref<1x128xi32, #tpu.memory_space<vmem>> -> memref<128xi32, #tpu.memory_space<vmem>>
      %dma_wait3A_390 = arith.constant 0 : i32
      %dma_wait3A_391 = arith.constant 0 : i32
      %dma_wait3A_392 = tpu.memref_slice %arg3[%dma_wait3A_390, %dma_wait3A_391] : memref<2600000x32xf32, #tpu.memory_space<hbm>> -> memref<2600000x32xf32, #tpu.memory_space<hbm>>
      tpu.wait_indirect_dma semaphore(%arg7 : memref<!tpu.dma_semaphore, #tpu.memory_space<semaphore_mem>>) src(%dma_wait3A_392 : memref<2600000x32xf32, #tpu.memory_space<hbm>>) dst(%dma_wait3A_386 : memref<128x32xf32, #tpu.memory_space<vmem>>)
      %dma_wait3A_393 = arith.constant 12 : i32
      %dma_wait3A_394 = arith.constant 1536 : i32
      %dma_wait3A_395 = arith.constant 0 : i32
      %dma_wait3A_396 = tpu.memref_slice %arg6[%dma_wait3A_394, %dma_wait3A_395] : memref<3328x32xf32, #tpu.memory_space<vmem>> -> memref<128x32xf32, #tpu.memory_space<vmem>>
      %dma_wait3A_397 = arith.constant 0 : i32
      %dma_wait3A_398 = tpu.memref_slice %arg5[%dma_wait3A_393, %dma_wait3A_397] : memref<26x128xi32, #tpu.memory_space<vmem>> -> memref<1x128xi32, #tpu.memory_space<vmem>>
      %dma_wait3A_399 = tpu.memref_squeeze %dma_wait3A_398 : memref<1x128xi32, #tpu.memory_space<vmem>> -> memref<128xi32, #tpu.memory_space<vmem>>
      %dma_wait3A_400 = arith.constant 0 : i32
      %dma_wait3A_401 = arith.constant 0 : i32
      %dma_wait3A_402 = tpu.memref_slice %arg3[%dma_wait3A_400, %dma_wait3A_401] : memref<2600000x32xf32, #tpu.memory_space<hbm>> -> memref<2600000x32xf32, #tpu.memory_space<hbm>>
      tpu.wait_indirect_dma semaphore(%arg7 : memref<!tpu.dma_semaphore, #tpu.memory_space<semaphore_mem>>) src(%dma_wait3A_402 : memref<2600000x32xf32, #tpu.memory_space<hbm>>) dst(%dma_wait3A_396 : memref<128x32xf32, #tpu.memory_space<vmem>>)
      %dma_wait3A_403 = arith.constant 13 : i32
      %dma_wait3A_404 = arith.constant 1664 : i32
      %dma_wait3A_405 = arith.constant 0 : i32
      %dma_wait3A_406 = tpu.memref_slice %arg6[%dma_wait3A_404, %dma_wait3A_405] : memref<3328x32xf32, #tpu.memory_space<vmem>> -> memref<128x32xf32, #tpu.memory_space<vmem>>
      %dma_wait3A_407 = arith.constant 0 : i32
      %dma_wait3A_408 = tpu.memref_slice %arg5[%dma_wait3A_403, %dma_wait3A_407] : memref<26x128xi32, #tpu.memory_space<vmem>> -> memref<1x128xi32, #tpu.memory_space<vmem>>
      %dma_wait3A_409 = tpu.memref_squeeze %dma_wait3A_408 : memref<1x128xi32, #tpu.memory_space<vmem>> -> memref<128xi32, #tpu.memory_space<vmem>>
      %dma_wait3A_410 = arith.constant 0 : i32
      %dma_wait3A_411 = arith.constant 0 : i32
      %dma_wait3A_412 = tpu.memref_slice %arg3[%dma_wait3A_410, %dma_wait3A_411] : memref<2600000x32xf32, #tpu.memory_space<hbm>> -> memref<2600000x32xf32, #tpu.memory_space<hbm>>
      tpu.wait_indirect_dma semaphore(%arg7 : memref<!tpu.dma_semaphore, #tpu.memory_space<semaphore_mem>>) src(%dma_wait3A_412 : memref<2600000x32xf32, #tpu.memory_space<hbm>>) dst(%dma_wait3A_406 : memref<128x32xf32, #tpu.memory_space<vmem>>)
      %dma_wait3A_413 = arith.constant 14 : i32
      %dma_wait3A_414 = arith.constant 1792 : i32
      %dma_wait3A_415 = arith.constant 0 : i32
      %dma_wait3A_416 = tpu.memref_slice %arg6[%dma_wait3A_414, %dma_wait3A_415] : memref<3328x32xf32, #tpu.memory_space<vmem>> -> memref<128x32xf32, #tpu.memory_space<vmem>>
      %dma_wait3A_417 = arith.constant 0 : i32
      %dma_wait3A_418 = tpu.memref_slice %arg5[%dma_wait3A_413, %dma_wait3A_417] : memref<26x128xi32, #tpu.memory_space<vmem>> -> memref<1x128xi32, #tpu.memory_space<vmem>>
      %dma_wait3A_419 = tpu.memref_squeeze %dma_wait3A_418 : memref<1x128xi32, #tpu.memory_space<vmem>> -> memref<128xi32, #tpu.memory_space<vmem>>
      %dma_wait3A_420 = arith.constant 0 : i32
      %dma_wait3A_421 = arith.constant 0 : i32
      %dma_wait3A_422 = tpu.memref_slice %arg3[%dma_wait3A_420, %dma_wait3A_421] : memref<2600000x32xf32, #tpu.memory_space<hbm>> -> memref<2600000x32xf32, #tpu.memory_space<hbm>>
      tpu.wait_indirect_dma semaphore(%arg7 : memref<!tpu.dma_semaphore, #tpu.memory_space<semaphore_mem>>) src(%dma_wait3A_422 : memref<2600000x32xf32, #tpu.memory_space<hbm>>) dst(%dma_wait3A_416 : memref<128x32xf32, #tpu.memory_space<vmem>>)
      %dma_wait3A_423 = arith.constant 15 : i32
      %dma_wait3A_424 = arith.constant 1920 : i32
      %dma_wait3A_425 = arith.constant 0 : i32
      %dma_wait3A_426 = tpu.memref_slice %arg6[%dma_wait3A_424, %dma_wait3A_425] : memref<3328x32xf32, #tpu.memory_space<vmem>> -> memref<128x32xf32, #tpu.memory_space<vmem>>
      %dma_wait3A_427 = arith.constant 0 : i32
      %dma_wait3A_428 = tpu.memref_slice %arg5[%dma_wait3A_423, %dma_wait3A_427] : memref<26x128xi32, #tpu.memory_space<vmem>> -> memref<1x128xi32, #tpu.memory_space<vmem>>
      %dma_wait3A_429 = tpu.memref_squeeze %dma_wait3A_428 : memref<1x128xi32, #tpu.memory_space<vmem>> -> memref<128xi32, #tpu.memory_space<vmem>>
      %dma_wait3A_430 = arith.constant 0 : i32
      %dma_wait3A_431 = arith.constant 0 : i32
      %dma_wait3A_432 = tpu.memref_slice %arg3[%dma_wait3A_430, %dma_wait3A_431] : memref<2600000x32xf32, #tpu.memory_space<hbm>> -> memref<2600000x32xf32, #tpu.memory_space<hbm>>
      tpu.wait_indirect_dma semaphore(%arg7 : memref<!tpu.dma_semaphore, #tpu.memory_space<semaphore_mem>>) src(%dma_wait3A_432 : memref<2600000x32xf32, #tpu.memory_space<hbm>>) dst(%dma_wait3A_426 : memref<128x32xf32, #tpu.memory_space<vmem>>)
      %dma_wait3A_433 = arith.constant 16 : i32
      %dma_wait3A_434 = arith.constant 2048 : i32
      %dma_wait3A_435 = arith.constant 0 : i32
      %dma_wait3A_436 = tpu.memref_slice %arg6[%dma_wait3A_434, %dma_wait3A_435] : memref<3328x32xf32, #tpu.memory_space<vmem>> -> memref<128x32xf32, #tpu.memory_space<vmem>>
      %dma_wait3A_437 = arith.constant 0 : i32
      %dma_wait3A_438 = tpu.memref_slice %arg5[%dma_wait3A_433, %dma_wait3A_437] : memref<26x128xi32, #tpu.memory_space<vmem>> -> memref<1x128xi32, #tpu.memory_space<vmem>>
      %dma_wait3A_439 = tpu.memref_squeeze %dma_wait3A_438 : memref<1x128xi32, #tpu.memory_space<vmem>> -> memref<128xi32, #tpu.memory_space<vmem>>
      %dma_wait3A_440 = arith.constant 0 : i32
      %dma_wait3A_441 = arith.constant 0 : i32
      %dma_wait3A_442 = tpu.memref_slice %arg3[%dma_wait3A_440, %dma_wait3A_441] : memref<2600000x32xf32, #tpu.memory_space<hbm>> -> memref<2600000x32xf32, #tpu.memory_space<hbm>>
      tpu.wait_indirect_dma semaphore(%arg7 : memref<!tpu.dma_semaphore, #tpu.memory_space<semaphore_mem>>) src(%dma_wait3A_442 : memref<2600000x32xf32, #tpu.memory_space<hbm>>) dst(%dma_wait3A_436 : memref<128x32xf32, #tpu.memory_space<vmem>>)
      %dma_wait3A_443 = arith.constant 17 : i32
      %dma_wait3A_444 = arith.constant 2176 : i32
      %dma_wait3A_445 = arith.constant 0 : i32
      %dma_wait3A_446 = tpu.memref_slice %arg6[%dma_wait3A_444, %dma_wait3A_445] : memref<3328x32xf32, #tpu.memory_space<vmem>> -> memref<128x32xf32, #tpu.memory_space<vmem>>
      %dma_wait3A_447 = arith.constant 0 : i32
      %dma_wait3A_448 = tpu.memref_slice %arg5[%dma_wait3A_443, %dma_wait3A_447] : memref<26x128xi32, #tpu.memory_space<vmem>> -> memref<1x128xi32, #tpu.memory_space<vmem>>
      %dma_wait3A_449 = tpu.memref_squeeze %dma_wait3A_448 : memref<1x128xi32, #tpu.memory_space<vmem>> -> memref<128xi32, #tpu.memory_space<vmem>>
      %dma_wait3A_450 = arith.constant 0 : i32
      %dma_wait3A_451 = arith.constant 0 : i32
      %dma_wait3A_452 = tpu.memref_slice %arg3[%dma_wait3A_450, %dma_wait3A_451] : memref<2600000x32xf32, #tpu.memory_space<hbm>> -> memref<2600000x32xf32, #tpu.memory_space<hbm>>
      tpu.wait_indirect_dma semaphore(%arg7 : memref<!tpu.dma_semaphore, #tpu.memory_space<semaphore_mem>>) src(%dma_wait3A_452 : memref<2600000x32xf32, #tpu.memory_space<hbm>>) dst(%dma_wait3A_446 : memref<128x32xf32, #tpu.memory_space<vmem>>)
      %dma_wait3A_453 = arith.constant 18 : i32
      %dma_wait3A_454 = arith.constant 2304 : i32
      %dma_wait3A_455 = arith.constant 0 : i32
      %dma_wait3A_456 = tpu.memref_slice %arg6[%dma_wait3A_454, %dma_wait3A_455] : memref<3328x32xf32, #tpu.memory_space<vmem>> -> memref<128x32xf32, #tpu.memory_space<vmem>>
      %dma_wait3A_457 = arith.constant 0 : i32
      %dma_wait3A_458 = tpu.memref_slice %arg5[%dma_wait3A_453, %dma_wait3A_457] : memref<26x128xi32, #tpu.memory_space<vmem>> -> memref<1x128xi32, #tpu.memory_space<vmem>>
      %dma_wait3A_459 = tpu.memref_squeeze %dma_wait3A_458 : memref<1x128xi32, #tpu.memory_space<vmem>> -> memref<128xi32, #tpu.memory_space<vmem>>
      %dma_wait3A_460 = arith.constant 0 : i32
      %dma_wait3A_461 = arith.constant 0 : i32
      %dma_wait3A_462 = tpu.memref_slice %arg3[%dma_wait3A_460, %dma_wait3A_461] : memref<2600000x32xf32, #tpu.memory_space<hbm>> -> memref<2600000x32xf32, #tpu.memory_space<hbm>>
      tpu.wait_indirect_dma semaphore(%arg7 : memref<!tpu.dma_semaphore, #tpu.memory_space<semaphore_mem>>) src(%dma_wait3A_462 : memref<2600000x32xf32, #tpu.memory_space<hbm>>) dst(%dma_wait3A_456 : memref<128x32xf32, #tpu.memory_space<vmem>>)
      %dma_wait3A_463 = arith.constant 19 : i32
      %dma_wait3A_464 = arith.constant 2432 : i32
      %dma_wait3A_465 = arith.constant 0 : i32
      %dma_wait3A_466 = tpu.memref_slice %arg6[%dma_wait3A_464, %dma_wait3A_465] : memref<3328x32xf32, #tpu.memory_space<vmem>> -> memref<128x32xf32, #tpu.memory_space<vmem>>
      %dma_wait3A_467 = arith.constant 0 : i32
      %dma_wait3A_468 = tpu.memref_slice %arg5[%dma_wait3A_463, %dma_wait3A_467] : memref<26x128xi32, #tpu.memory_space<vmem>> -> memref<1x128xi32, #tpu.memory_space<vmem>>
      %dma_wait3A_469 = tpu.memref_squeeze %dma_wait3A_468 : memref<1x128xi32, #tpu.memory_space<vmem>> -> memref<128xi32, #tpu.memory_space<vmem>>
      %dma_wait3A_470 = arith.constant 0 : i32
      %dma_wait3A_471 = arith.constant 0 : i32
      %dma_wait3A_472 = tpu.memref_slice %arg3[%dma_wait3A_470, %dma_wait3A_471] : memref<2600000x32xf32, #tpu.memory_space<hbm>> -> memref<2600000x32xf32, #tpu.memory_space<hbm>>
      tpu.wait_indirect_dma semaphore(%arg7 : memref<!tpu.dma_semaphore, #tpu.memory_space<semaphore_mem>>) src(%dma_wait3A_472 : memref<2600000x32xf32, #tpu.memory_space<hbm>>) dst(%dma_wait3A_466 : memref<128x32xf32, #tpu.memory_space<vmem>>)
      %dma_wait3A_473 = arith.constant 20 : i32
      %dma_wait3A_474 = arith.constant 2560 : i32
      %dma_wait3A_475 = arith.constant 0 : i32
      %dma_wait3A_476 = tpu.memref_slice %arg6[%dma_wait3A_474, %dma_wait3A_475] : memref<3328x32xf32, #tpu.memory_space<vmem>> -> memref<128x32xf32, #tpu.memory_space<vmem>>
      %dma_wait3A_477 = arith.constant 0 : i32
      %dma_wait3A_478 = tpu.memref_slice %arg5[%dma_wait3A_473, %dma_wait3A_477] : memref<26x128xi32, #tpu.memory_space<vmem>> -> memref<1x128xi32, #tpu.memory_space<vmem>>
      %dma_wait3A_479 = tpu.memref_squeeze %dma_wait3A_478 : memref<1x128xi32, #tpu.memory_space<vmem>> -> memref<128xi32, #tpu.memory_space<vmem>>
      %dma_wait3A_480 = arith.constant 0 : i32
      %dma_wait3A_481 = arith.constant 0 : i32
      %dma_wait3A_482 = tpu.memref_slice %arg3[%dma_wait3A_480, %dma_wait3A_481] : memref<2600000x32xf32, #tpu.memory_space<hbm>> -> memref<2600000x32xf32, #tpu.memory_space<hbm>>
      tpu.wait_indirect_dma semaphore(%arg7 : memref<!tpu.dma_semaphore, #tpu.memory_space<semaphore_mem>>) src(%dma_wait3A_482 : memref<2600000x32xf32, #tpu.memory_space<hbm>>) dst(%dma_wait3A_476 : memref<128x32xf32, #tpu.memory_space<vmem>>)
      %dma_wait3A_483 = arith.constant 21 : i32
      %dma_wait3A_484 = arith.constant 2688 : i32
      %dma_wait3A_485 = arith.constant 0 : i32
      %dma_wait3A_486 = tpu.memref_slice %arg6[%dma_wait3A_484, %dma_wait3A_485] : memref<3328x32xf32, #tpu.memory_space<vmem>> -> memref<128x32xf32, #tpu.memory_space<vmem>>
      %dma_wait3A_487 = arith.constant 0 : i32
      %dma_wait3A_488 = tpu.memref_slice %arg5[%dma_wait3A_483, %dma_wait3A_487] : memref<26x128xi32, #tpu.memory_space<vmem>> -> memref<1x128xi32, #tpu.memory_space<vmem>>
      %dma_wait3A_489 = tpu.memref_squeeze %dma_wait3A_488 : memref<1x128xi32, #tpu.memory_space<vmem>> -> memref<128xi32, #tpu.memory_space<vmem>>
      %dma_wait3A_490 = arith.constant 0 : i32
      %dma_wait3A_491 = arith.constant 0 : i32
      %dma_wait3A_492 = tpu.memref_slice %arg3[%dma_wait3A_490, %dma_wait3A_491] : memref<2600000x32xf32, #tpu.memory_space<hbm>> -> memref<2600000x32xf32, #tpu.memory_space<hbm>>
      tpu.wait_indirect_dma semaphore(%arg7 : memref<!tpu.dma_semaphore, #tpu.memory_space<semaphore_mem>>) src(%dma_wait3A_492 : memref<2600000x32xf32, #tpu.memory_space<hbm>>) dst(%dma_wait3A_486 : memref<128x32xf32, #tpu.memory_space<vmem>>)
      %dma_wait3A_493 = arith.constant 22 : i32
      %dma_wait3A_494 = arith.constant 2816 : i32
      %dma_wait3A_495 = arith.constant 0 : i32
      %dma_wait3A_496 = tpu.memref_slice %arg6[%dma_wait3A_494, %dma_wait3A_495] : memref<3328x32xf32, #tpu.memory_space<vmem>> -> memref<128x32xf32, #tpu.memory_space<vmem>>
      %dma_wait3A_497 = arith.constant 0 : i32
      %dma_wait3A_498 = tpu.memref_slice %arg5[%dma_wait3A_493, %dma_wait3A_497] : memref<26x128xi32, #tpu.memory_space<vmem>> -> memref<1x128xi32, #tpu.memory_space<vmem>>
      %dma_wait3A_499 = tpu.memref_squeeze %dma_wait3A_498 : memref<1x128xi32, #tpu.memory_space<vmem>> -> memref<128xi32, #tpu.memory_space<vmem>>
      %dma_wait3A_500 = arith.constant 0 : i32
      %dma_wait3A_501 = arith.constant 0 : i32
      %dma_wait3A_502 = tpu.memref_slice %arg3[%dma_wait3A_500, %dma_wait3A_501] : memref<2600000x32xf32, #tpu.memory_space<hbm>> -> memref<2600000x32xf32, #tpu.memory_space<hbm>>
      tpu.wait_indirect_dma semaphore(%arg7 : memref<!tpu.dma_semaphore, #tpu.memory_space<semaphore_mem>>) src(%dma_wait3A_502 : memref<2600000x32xf32, #tpu.memory_space<hbm>>) dst(%dma_wait3A_496 : memref<128x32xf32, #tpu.memory_space<vmem>>)
      %dma_wait3A_503 = arith.constant 23 : i32
      %dma_wait3A_504 = arith.constant 2944 : i32
      %dma_wait3A_505 = arith.constant 0 : i32
      %dma_wait3A_506 = tpu.memref_slice %arg6[%dma_wait3A_504, %dma_wait3A_505] : memref<3328x32xf32, #tpu.memory_space<vmem>> -> memref<128x32xf32, #tpu.memory_space<vmem>>
      %dma_wait3A_507 = arith.constant 0 : i32
      %dma_wait3A_508 = tpu.memref_slice %arg5[%dma_wait3A_503, %dma_wait3A_507] : memref<26x128xi32, #tpu.memory_space<vmem>> -> memref<1x128xi32, #tpu.memory_space<vmem>>
      %dma_wait3A_509 = tpu.memref_squeeze %dma_wait3A_508 : memref<1x128xi32, #tpu.memory_space<vmem>> -> memref<128xi32, #tpu.memory_space<vmem>>
      %dma_wait3A_510 = arith.constant 0 : i32
      %dma_wait3A_511 = arith.constant 0 : i32
      %dma_wait3A_512 = tpu.memref_slice %arg3[%dma_wait3A_510, %dma_wait3A_511] : memref<2600000x32xf32, #tpu.memory_space<hbm>> -> memref<2600000x32xf32, #tpu.memory_space<hbm>>
      tpu.wait_indirect_dma semaphore(%arg7 : memref<!tpu.dma_semaphore, #tpu.memory_space<semaphore_mem>>) src(%dma_wait3A_512 : memref<2600000x32xf32, #tpu.memory_space<hbm>>) dst(%dma_wait3A_506 : memref<128x32xf32, #tpu.memory_space<vmem>>)
      %dma_wait3A_513 = arith.constant 24 : i32
      %dma_wait3A_514 = arith.constant 3072 : i32
      %dma_wait3A_515 = arith.constant 0 : i32
      %dma_wait3A_516 = tpu.memref_slice %arg6[%dma_wait3A_514, %dma_wait3A_515] : memref<3328x32xf32, #tpu.memory_space<vmem>> -> memref<128x32xf32, #tpu.memory_space<vmem>>
      %dma_wait3A_517 = arith.constant 0 : i32
      %dma_wait3A_518 = tpu.memref_slice %arg5[%dma_wait3A_513, %dma_wait3A_517] : memref<26x128xi32, #tpu.memory_space<vmem>> -> memref<1x128xi32, #tpu.memory_space<vmem>>
      %dma_wait3A_519 = tpu.memref_squeeze %dma_wait3A_518 : memref<1x128xi32, #tpu.memory_space<vmem>> -> memref<128xi32, #tpu.memory_space<vmem>>
      %dma_wait3A_520 = arith.constant 0 : i32
      %dma_wait3A_521 = arith.constant 0 : i32
      %dma_wait3A_522 = tpu.memref_slice %arg3[%dma_wait3A_520, %dma_wait3A_521] : memref<2600000x32xf32, #tpu.memory_space<hbm>> -> memref<2600000x32xf32, #tpu.memory_space<hbm>>
      tpu.wait_indirect_dma semaphore(%arg7 : memref<!tpu.dma_semaphore, #tpu.memory_space<semaphore_mem>>) src(%dma_wait3A_522 : memref<2600000x32xf32, #tpu.memory_space<hbm>>) dst(%dma_wait3A_516 : memref<128x32xf32, #tpu.memory_space<vmem>>)
      %dma_wait3A_523 = arith.constant 25 : i32
      %dma_wait3A_524 = arith.constant 3200 : i32
      %dma_wait3A_525 = arith.constant 0 : i32
      %dma_wait3A_526 = tpu.memref_slice %arg6[%dma_wait3A_524, %dma_wait3A_525] : memref<3328x32xf32, #tpu.memory_space<vmem>> -> memref<128x32xf32, #tpu.memory_space<vmem>>
      %dma_wait3A_527 = arith.constant 0 : i32
      %dma_wait3A_528 = tpu.memref_slice %arg5[%dma_wait3A_523, %dma_wait3A_527] : memref<26x128xi32, #tpu.memory_space<vmem>> -> memref<1x128xi32, #tpu.memory_space<vmem>>
      %dma_wait3A_529 = tpu.memref_squeeze %dma_wait3A_528 : memref<1x128xi32, #tpu.memory_space<vmem>> -> memref<128xi32, #tpu.memory_space<vmem>>
      %dma_wait3A_530 = arith.constant 0 : i32
      %dma_wait3A_531 = arith.constant 0 : i32
      %dma_wait3A_532 = tpu.memref_slice %arg3[%dma_wait3A_530, %dma_wait3A_531] : memref<2600000x32xf32, #tpu.memory_space<hbm>> -> memref<2600000x32xf32, #tpu.memory_space<hbm>>
      tpu.wait_indirect_dma semaphore(%arg7 : memref<!tpu.dma_semaphore, #tpu.memory_space<semaphore_mem>>) src(%dma_wait3A_532 : memref<2600000x32xf32, #tpu.memory_space<hbm>>) dst(%dma_wait3A_526 : memref<128x32xf32, #tpu.memory_space<vmem>>)
      %mul3A_533 = arith.constant 26 : i32
      %mul3A_534 = arith.muli %add3A_12, %mul3A_533 : i32
      %mul3A_535 = arith.constant 128 : i32
      %mul3A_536 = arith.muli %mul3A_534, %mul3A_535 : i32
      "tpu.region"() ({
        %run_scoped3A = tpu.sem_alloc : memref<!tpu.dma_semaphore, #tpu.memory_space<semaphore_mem>>
        %dma_start3A_537 = arith.constant 0 : i32
        %dma_start3A_538 = tpu.memref_slice %arg4[%mul3A_536, %dma_start3A_537] : memref<425984x32xf32, #tpu.memory_space<hbm>> -> memref<3328x32xf32, #tpu.memory_space<hbm>>
        %dma_start3A_539 = arith.constant 0 : i32
        %dma_start3A_540 = tpu.memref_slice %arg4[%mul3A_536, %dma_start3A_539] : memref<425984x32xf32, #tpu.memory_space<hbm>> -> memref<3328x32xf32, #tpu.memory_space<hbm>>
        tpu.enqueue_dma source(%arg6 : memref<3328x32xf32, #tpu.memory_space<vmem>>) target(%dma_start3A_540 : memref<3328x32xf32, #tpu.memory_space<hbm>>) target_semaphore(%run_scoped3A : memref<!tpu.dma_semaphore, #tpu.memory_space<semaphore_mem>>)
        %dma_wait3A_541 = arith.constant 0 : i32
        %dma_wait3A_542 = tpu.memref_slice %arg4[%mul3A_536, %dma_wait3A_541] : memref<425984x32xf32, #tpu.memory_space<hbm>> -> memref<3328x32xf32, #tpu.memory_space<hbm>>
        %dma_wait3A_543 = arith.constant 0 : i32
        %dma_wait3A_544 = tpu.memref_slice %arg4[%mul3A_536, %dma_wait3A_543] : memref<425984x32xf32, #tpu.memory_space<hbm>> -> memref<3328x32xf32, #tpu.memory_space<hbm>>
        tpu.wait_dma2 semaphore(%run_scoped3A : memref<!tpu.dma_semaphore, #tpu.memory_space<semaphore_mem>>) src(%arg6 : memref<3328x32xf32, #tpu.memory_space<vmem>>) dst(%dma_wait3A_544 : memref<3328x32xf32, #tpu.memory_space<hbm>>)
        tpu.yield
      }) : () -> ()
    }
    %scan3A_4 = arith.constant 4 : i32
    return
  }
}

module attributes {stable_mosaic.version = 14 : i64} {
  func.func @_assemble(%arg0: i32, %arg1: memref<13312x32xf32, #tpu.memory_space<vmem>>, %arg2: memref<13x512xf32, #tpu.memory_space<vmem>>, %arg3: memref<512x845xf32, #tpu.memory_space<vmem>>) attributes {dimension_semantics = [#tpu.dimension_semantics<arbitrary>], iteration_bounds = array<i64: 32>, scalar_prefetch = 0 : i64, scratch_operands = 0 : i64, tpu.core_type = #tpu.core_type<tc>, window_params = [{transform_indices = @transform_0, window_bounds = array<i64: 13312, 32>}, {transform_indices = @transform_1, window_bounds = array<i64: 13, 512>}, {transform_indices = @transform_2, window_bounds = array<i64: 512, 845>}]} {
    %get3A = arith.constant 0 : index
    %get3A_0 = arith.constant 0 : index
    %get3A_1 = vector.load %arg1[%get3A, %get3A_0] : memref<13312x32xf32, #tpu.memory_space<vmem>>, vector<13312x32xf32>
    %reshape3A = vector.shape_cast %get3A_1 : vector<13312x32xf32> to vector<512x26x32xf32>
    %slice3A = vector.extract_strided_slice %reshape3A {offsets = [0, 0, 0], sizes = [512, 1, 32], strides = [1, 1, 1]} : vector<512x26x32xf32> to vector<512x1x32xf32>
    %squeeze3A = vector.shape_cast %slice3A : vector<512x1x32xf32> to vector<512x32xf32>
    %swap3A = arith.constant 0 : index
    %swap3A_2 = arith.constant 0 : index
    %swap3A_3 = vector.load %arg3[%swap3A, %swap3A_2] : memref<512x845xf32, #tpu.memory_space<vmem>>, vector<512x32xf32>
    tpu.vector_store %arg3[%swap3A, %swap3A_2], %squeeze3A {strides = array<i32>} : memref<512x845xf32, #tpu.memory_space<vmem>>, vector<512x32xf32>,
    %slice3A_4 = vector.extract_strided_slice %reshape3A {offsets = [0, 1, 0], sizes = [512, 1, 32], strides = [1, 1, 1]} : vector<512x26x32xf32> to vector<512x1x32xf32>
    %squeeze3A_5 = vector.shape_cast %slice3A_4 : vector<512x1x32xf32> to vector<512x32xf32>
    %swap3A_6 = arith.constant 0 : index
    %swap3A_7 = arith.constant 32 : index
    %swap3A_8 = vector.load %arg3[%swap3A_6, %swap3A_7] : memref<512x845xf32, #tpu.memory_space<vmem>>, vector<512x32xf32>
    tpu.vector_store %arg3[%swap3A_6, %swap3A_7], %squeeze3A_5 {strides = array<i32>} : memref<512x845xf32, #tpu.memory_space<vmem>>, vector<512x32xf32>,
    %slice3A_9 = vector.extract_strided_slice %reshape3A {offsets = [0, 2, 0], sizes = [512, 1, 32], strides = [1, 1, 1]} : vector<512x26x32xf32> to vector<512x1x32xf32>
    %squeeze3A_10 = vector.shape_cast %slice3A_9 : vector<512x1x32xf32> to vector<512x32xf32>
    %swap3A_11 = arith.constant 0 : index
    %swap3A_12 = arith.constant 64 : index
    %swap3A_13 = vector.load %arg3[%swap3A_11, %swap3A_12] : memref<512x845xf32, #tpu.memory_space<vmem>>, vector<512x32xf32>
    tpu.vector_store %arg3[%swap3A_11, %swap3A_12], %squeeze3A_10 {strides = array<i32>} : memref<512x845xf32, #tpu.memory_space<vmem>>, vector<512x32xf32>,
    %slice3A_14 = vector.extract_strided_slice %reshape3A {offsets = [0, 3, 0], sizes = [512, 1, 32], strides = [1, 1, 1]} : vector<512x26x32xf32> to vector<512x1x32xf32>
    %squeeze3A_15 = vector.shape_cast %slice3A_14 : vector<512x1x32xf32> to vector<512x32xf32>
    %swap3A_16 = arith.constant 0 : index
    %swap3A_17 = arith.constant 96 : index
    %swap3A_18 = vector.load %arg3[%swap3A_16, %swap3A_17] : memref<512x845xf32, #tpu.memory_space<vmem>>, vector<512x32xf32>
    tpu.vector_store %arg3[%swap3A_16, %swap3A_17], %squeeze3A_15 {strides = array<i32>} : memref<512x845xf32, #tpu.memory_space<vmem>>, vector<512x32xf32>,
    %slice3A_19 = vector.extract_strided_slice %reshape3A {offsets = [0, 4, 0], sizes = [512, 1, 32], strides = [1, 1, 1]} : vector<512x26x32xf32> to vector<512x1x32xf32>
    %squeeze3A_20 = vector.shape_cast %slice3A_19 : vector<512x1x32xf32> to vector<512x32xf32>
    %swap3A_21 = arith.constant 0 : index
    %swap3A_22 = arith.constant 128 : index
    %swap3A_23 = vector.load %arg3[%swap3A_21, %swap3A_22] : memref<512x845xf32, #tpu.memory_space<vmem>>, vector<512x32xf32>
    tpu.vector_store %arg3[%swap3A_21, %swap3A_22], %squeeze3A_20 {strides = array<i32>} : memref<512x845xf32, #tpu.memory_space<vmem>>, vector<512x32xf32>,
    %slice3A_24 = vector.extract_strided_slice %reshape3A {offsets = [0, 5, 0], sizes = [512, 1, 32], strides = [1, 1, 1]} : vector<512x26x32xf32> to vector<512x1x32xf32>
    %squeeze3A_25 = vector.shape_cast %slice3A_24 : vector<512x1x32xf32> to vector<512x32xf32>
    %swap3A_26 = arith.constant 0 : index
    %swap3A_27 = arith.constant 160 : index
    %swap3A_28 = vector.load %arg3[%swap3A_26, %swap3A_27] : memref<512x845xf32, #tpu.memory_space<vmem>>, vector<512x32xf32>
    tpu.vector_store %arg3[%swap3A_26, %swap3A_27], %squeeze3A_25 {strides = array<i32>} : memref<512x845xf32, #tpu.memory_space<vmem>>, vector<512x32xf32>,
    %slice3A_29 = vector.extract_strided_slice %reshape3A {offsets = [0, 6, 0], sizes = [512, 1, 32], strides = [1, 1, 1]} : vector<512x26x32xf32> to vector<512x1x32xf32>
    %squeeze3A_30 = vector.shape_cast %slice3A_29 : vector<512x1x32xf32> to vector<512x32xf32>
    %swap3A_31 = arith.constant 0 : index
    %swap3A_32 = arith.constant 192 : index
    %swap3A_33 = vector.load %arg3[%swap3A_31, %swap3A_32] : memref<512x845xf32, #tpu.memory_space<vmem>>, vector<512x32xf32>
    tpu.vector_store %arg3[%swap3A_31, %swap3A_32], %squeeze3A_30 {strides = array<i32>} : memref<512x845xf32, #tpu.memory_space<vmem>>, vector<512x32xf32>,
    %slice3A_34 = vector.extract_strided_slice %reshape3A {offsets = [0, 7, 0], sizes = [512, 1, 32], strides = [1, 1, 1]} : vector<512x26x32xf32> to vector<512x1x32xf32>
    %squeeze3A_35 = vector.shape_cast %slice3A_34 : vector<512x1x32xf32> to vector<512x32xf32>
    %swap3A_36 = arith.constant 0 : index
    %swap3A_37 = arith.constant 224 : index
    %swap3A_38 = vector.load %arg3[%swap3A_36, %swap3A_37] : memref<512x845xf32, #tpu.memory_space<vmem>>, vector<512x32xf32>
    tpu.vector_store %arg3[%swap3A_36, %swap3A_37], %squeeze3A_35 {strides = array<i32>} : memref<512x845xf32, #tpu.memory_space<vmem>>, vector<512x32xf32>,
    %slice3A_39 = vector.extract_strided_slice %reshape3A {offsets = [0, 8, 0], sizes = [512, 1, 32], strides = [1, 1, 1]} : vector<512x26x32xf32> to vector<512x1x32xf32>
    %squeeze3A_40 = vector.shape_cast %slice3A_39 : vector<512x1x32xf32> to vector<512x32xf32>
    %swap3A_41 = arith.constant 0 : index
    %swap3A_42 = arith.constant 256 : index
    %swap3A_43 = vector.load %arg3[%swap3A_41, %swap3A_42] : memref<512x845xf32, #tpu.memory_space<vmem>>, vector<512x32xf32>
    tpu.vector_store %arg3[%swap3A_41, %swap3A_42], %squeeze3A_40 {strides = array<i32>} : memref<512x845xf32, #tpu.memory_space<vmem>>, vector<512x32xf32>,
    %slice3A_44 = vector.extract_strided_slice %reshape3A {offsets = [0, 9, 0], sizes = [512, 1, 32], strides = [1, 1, 1]} : vector<512x26x32xf32> to vector<512x1x32xf32>
    %squeeze3A_45 = vector.shape_cast %slice3A_44 : vector<512x1x32xf32> to vector<512x32xf32>
    %swap3A_46 = arith.constant 0 : index
    %swap3A_47 = arith.constant 288 : index
    %swap3A_48 = vector.load %arg3[%swap3A_46, %swap3A_47] : memref<512x845xf32, #tpu.memory_space<vmem>>, vector<512x32xf32>
    tpu.vector_store %arg3[%swap3A_46, %swap3A_47], %squeeze3A_45 {strides = array<i32>} : memref<512x845xf32, #tpu.memory_space<vmem>>, vector<512x32xf32>,
    %slice3A_49 = vector.extract_strided_slice %reshape3A {offsets = [0, 10, 0], sizes = [512, 1, 32], strides = [1, 1, 1]} : vector<512x26x32xf32> to vector<512x1x32xf32>
    %squeeze3A_50 = vector.shape_cast %slice3A_49 : vector<512x1x32xf32> to vector<512x32xf32>
    %swap3A_51 = arith.constant 0 : index
    %swap3A_52 = arith.constant 320 : index
    %swap3A_53 = vector.load %arg3[%swap3A_51, %swap3A_52] : memref<512x845xf32, #tpu.memory_space<vmem>>, vector<512x32xf32>
    tpu.vector_store %arg3[%swap3A_51, %swap3A_52], %squeeze3A_50 {strides = array<i32>} : memref<512x845xf32, #tpu.memory_space<vmem>>, vector<512x32xf32>,
    %slice3A_54 = vector.extract_strided_slice %reshape3A {offsets = [0, 11, 0], sizes = [512, 1, 32], strides = [1, 1, 1]} : vector<512x26x32xf32> to vector<512x1x32xf32>
    %squeeze3A_55 = vector.shape_cast %slice3A_54 : vector<512x1x32xf32> to vector<512x32xf32>
    %swap3A_56 = arith.constant 0 : index
    %swap3A_57 = arith.constant 352 : index
    %swap3A_58 = vector.load %arg3[%swap3A_56, %swap3A_57] : memref<512x845xf32, #tpu.memory_space<vmem>>, vector<512x32xf32>
    tpu.vector_store %arg3[%swap3A_56, %swap3A_57], %squeeze3A_55 {strides = array<i32>} : memref<512x845xf32, #tpu.memory_space<vmem>>, vector<512x32xf32>,
    %slice3A_59 = vector.extract_strided_slice %reshape3A {offsets = [0, 12, 0], sizes = [512, 1, 32], strides = [1, 1, 1]} : vector<512x26x32xf32> to vector<512x1x32xf32>
    %squeeze3A_60 = vector.shape_cast %slice3A_59 : vector<512x1x32xf32> to vector<512x32xf32>
    %swap3A_61 = arith.constant 0 : index
    %swap3A_62 = arith.constant 384 : index
    %swap3A_63 = vector.load %arg3[%swap3A_61, %swap3A_62] : memref<512x845xf32, #tpu.memory_space<vmem>>, vector<512x32xf32>
    tpu.vector_store %arg3[%swap3A_61, %swap3A_62], %squeeze3A_60 {strides = array<i32>} : memref<512x845xf32, #tpu.memory_space<vmem>>, vector<512x32xf32>,
    %slice3A_64 = vector.extract_strided_slice %reshape3A {offsets = [0, 13, 0], sizes = [512, 1, 32], strides = [1, 1, 1]} : vector<512x26x32xf32> to vector<512x1x32xf32>
    %squeeze3A_65 = vector.shape_cast %slice3A_64 : vector<512x1x32xf32> to vector<512x32xf32>
    %swap3A_66 = arith.constant 0 : index
    %swap3A_67 = arith.constant 416 : index
    %swap3A_68 = vector.load %arg3[%swap3A_66, %swap3A_67] : memref<512x845xf32, #tpu.memory_space<vmem>>, vector<512x32xf32>
    tpu.vector_store %arg3[%swap3A_66, %swap3A_67], %squeeze3A_65 {strides = array<i32>} : memref<512x845xf32, #tpu.memory_space<vmem>>, vector<512x32xf32>,
    %slice3A_69 = vector.extract_strided_slice %reshape3A {offsets = [0, 14, 0], sizes = [512, 1, 32], strides = [1, 1, 1]} : vector<512x26x32xf32> to vector<512x1x32xf32>
    %squeeze3A_70 = vector.shape_cast %slice3A_69 : vector<512x1x32xf32> to vector<512x32xf32>
    %swap3A_71 = arith.constant 0 : index
    %swap3A_72 = arith.constant 448 : index
    %swap3A_73 = vector.load %arg3[%swap3A_71, %swap3A_72] : memref<512x845xf32, #tpu.memory_space<vmem>>, vector<512x32xf32>
    tpu.vector_store %arg3[%swap3A_71, %swap3A_72], %squeeze3A_70 {strides = array<i32>} : memref<512x845xf32, #tpu.memory_space<vmem>>, vector<512x32xf32>,
    %slice3A_74 = vector.extract_strided_slice %reshape3A {offsets = [0, 15, 0], sizes = [512, 1, 32], strides = [1, 1, 1]} : vector<512x26x32xf32> to vector<512x1x32xf32>
    %squeeze3A_75 = vector.shape_cast %slice3A_74 : vector<512x1x32xf32> to vector<512x32xf32>
    %swap3A_76 = arith.constant 0 : index
    %swap3A_77 = arith.constant 480 : index
    %swap3A_78 = vector.load %arg3[%swap3A_76, %swap3A_77] : memref<512x845xf32, #tpu.memory_space<vmem>>, vector<512x32xf32>
    tpu.vector_store %arg3[%swap3A_76, %swap3A_77], %squeeze3A_75 {strides = array<i32>} : memref<512x845xf32, #tpu.memory_space<vmem>>, vector<512x32xf32>,
    %slice3A_79 = vector.extract_strided_slice %reshape3A {offsets = [0, 16, 0], sizes = [512, 1, 32], strides = [1, 1, 1]} : vector<512x26x32xf32> to vector<512x1x32xf32>
    %squeeze3A_80 = vector.shape_cast %slice3A_79 : vector<512x1x32xf32> to vector<512x32xf32>
    %swap3A_81 = arith.constant 0 : index
    %swap3A_82 = arith.constant 512 : index
    %swap3A_83 = vector.load %arg3[%swap3A_81, %swap3A_82] : memref<512x845xf32, #tpu.memory_space<vmem>>, vector<512x32xf32>
    tpu.vector_store %arg3[%swap3A_81, %swap3A_82], %squeeze3A_80 {strides = array<i32>} : memref<512x845xf32, #tpu.memory_space<vmem>>, vector<512x32xf32>,
    %slice3A_84 = vector.extract_strided_slice %reshape3A {offsets = [0, 17, 0], sizes = [512, 1, 32], strides = [1, 1, 1]} : vector<512x26x32xf32> to vector<512x1x32xf32>
    %squeeze3A_85 = vector.shape_cast %slice3A_84 : vector<512x1x32xf32> to vector<512x32xf32>
    %swap3A_86 = arith.constant 0 : index
    %swap3A_87 = arith.constant 544 : index
    %swap3A_88 = vector.load %arg3[%swap3A_86, %swap3A_87] : memref<512x845xf32, #tpu.memory_space<vmem>>, vector<512x32xf32>
    tpu.vector_store %arg3[%swap3A_86, %swap3A_87], %squeeze3A_85 {strides = array<i32>} : memref<512x845xf32, #tpu.memory_space<vmem>>, vector<512x32xf32>,
    %slice3A_89 = vector.extract_strided_slice %reshape3A {offsets = [0, 18, 0], sizes = [512, 1, 32], strides = [1, 1, 1]} : vector<512x26x32xf32> to vector<512x1x32xf32>
    %squeeze3A_90 = vector.shape_cast %slice3A_89 : vector<512x1x32xf32> to vector<512x32xf32>
    %swap3A_91 = arith.constant 0 : index
    %swap3A_92 = arith.constant 576 : index
    %swap3A_93 = vector.load %arg3[%swap3A_91, %swap3A_92] : memref<512x845xf32, #tpu.memory_space<vmem>>, vector<512x32xf32>
    tpu.vector_store %arg3[%swap3A_91, %swap3A_92], %squeeze3A_90 {strides = array<i32>} : memref<512x845xf32, #tpu.memory_space<vmem>>, vector<512x32xf32>,
    %slice3A_94 = vector.extract_strided_slice %reshape3A {offsets = [0, 19, 0], sizes = [512, 1, 32], strides = [1, 1, 1]} : vector<512x26x32xf32> to vector<512x1x32xf32>
    %squeeze3A_95 = vector.shape_cast %slice3A_94 : vector<512x1x32xf32> to vector<512x32xf32>
    %swap3A_96 = arith.constant 0 : index
    %swap3A_97 = arith.constant 608 : index
    %swap3A_98 = vector.load %arg3[%swap3A_96, %swap3A_97] : memref<512x845xf32, #tpu.memory_space<vmem>>, vector<512x32xf32>
    tpu.vector_store %arg3[%swap3A_96, %swap3A_97], %squeeze3A_95 {strides = array<i32>} : memref<512x845xf32, #tpu.memory_space<vmem>>, vector<512x32xf32>,
    %slice3A_99 = vector.extract_strided_slice %reshape3A {offsets = [0, 20, 0], sizes = [512, 1, 32], strides = [1, 1, 1]} : vector<512x26x32xf32> to vector<512x1x32xf32>
    %squeeze3A_100 = vector.shape_cast %slice3A_99 : vector<512x1x32xf32> to vector<512x32xf32>
    %swap3A_101 = arith.constant 0 : index
    %swap3A_102 = arith.constant 640 : index
    %swap3A_103 = vector.load %arg3[%swap3A_101, %swap3A_102] : memref<512x845xf32, #tpu.memory_space<vmem>>, vector<512x32xf32>
    tpu.vector_store %arg3[%swap3A_101, %swap3A_102], %squeeze3A_100 {strides = array<i32>} : memref<512x845xf32, #tpu.memory_space<vmem>>, vector<512x32xf32>,
    %slice3A_104 = vector.extract_strided_slice %reshape3A {offsets = [0, 21, 0], sizes = [512, 1, 32], strides = [1, 1, 1]} : vector<512x26x32xf32> to vector<512x1x32xf32>
    %squeeze3A_105 = vector.shape_cast %slice3A_104 : vector<512x1x32xf32> to vector<512x32xf32>
    %swap3A_106 = arith.constant 0 : index
    %swap3A_107 = arith.constant 672 : index
    %swap3A_108 = vector.load %arg3[%swap3A_106, %swap3A_107] : memref<512x845xf32, #tpu.memory_space<vmem>>, vector<512x32xf32>
    tpu.vector_store %arg3[%swap3A_106, %swap3A_107], %squeeze3A_105 {strides = array<i32>} : memref<512x845xf32, #tpu.memory_space<vmem>>, vector<512x32xf32>,
    %slice3A_109 = vector.extract_strided_slice %reshape3A {offsets = [0, 22, 0], sizes = [512, 1, 32], strides = [1, 1, 1]} : vector<512x26x32xf32> to vector<512x1x32xf32>
    %squeeze3A_110 = vector.shape_cast %slice3A_109 : vector<512x1x32xf32> to vector<512x32xf32>
    %swap3A_111 = arith.constant 0 : index
    %swap3A_112 = arith.constant 704 : index
    %swap3A_113 = vector.load %arg3[%swap3A_111, %swap3A_112] : memref<512x845xf32, #tpu.memory_space<vmem>>, vector<512x32xf32>
    tpu.vector_store %arg3[%swap3A_111, %swap3A_112], %squeeze3A_110 {strides = array<i32>} : memref<512x845xf32, #tpu.memory_space<vmem>>, vector<512x32xf32>,
    %slice3A_114 = vector.extract_strided_slice %reshape3A {offsets = [0, 23, 0], sizes = [512, 1, 32], strides = [1, 1, 1]} : vector<512x26x32xf32> to vector<512x1x32xf32>
    %squeeze3A_115 = vector.shape_cast %slice3A_114 : vector<512x1x32xf32> to vector<512x32xf32>
    %swap3A_116 = arith.constant 0 : index
    %swap3A_117 = arith.constant 736 : index
    %swap3A_118 = vector.load %arg3[%swap3A_116, %swap3A_117] : memref<512x845xf32, #tpu.memory_space<vmem>>, vector<512x32xf32>
    tpu.vector_store %arg3[%swap3A_116, %swap3A_117], %squeeze3A_115 {strides = array<i32>} : memref<512x845xf32, #tpu.memory_space<vmem>>, vector<512x32xf32>,
    %slice3A_119 = vector.extract_strided_slice %reshape3A {offsets = [0, 24, 0], sizes = [512, 1, 32], strides = [1, 1, 1]} : vector<512x26x32xf32> to vector<512x1x32xf32>
    %squeeze3A_120 = vector.shape_cast %slice3A_119 : vector<512x1x32xf32> to vector<512x32xf32>
    %swap3A_121 = arith.constant 0 : index
    %swap3A_122 = arith.constant 768 : index
    %swap3A_123 = vector.load %arg3[%swap3A_121, %swap3A_122] : memref<512x845xf32, #tpu.memory_space<vmem>>, vector<512x32xf32>
    tpu.vector_store %arg3[%swap3A_121, %swap3A_122], %squeeze3A_120 {strides = array<i32>} : memref<512x845xf32, #tpu.memory_space<vmem>>, vector<512x32xf32>,
    %slice3A_124 = vector.extract_strided_slice %reshape3A {offsets = [0, 25, 0], sizes = [512, 1, 32], strides = [1, 1, 1]} : vector<512x26x32xf32> to vector<512x1x32xf32>
    %squeeze3A_125 = vector.shape_cast %slice3A_124 : vector<512x1x32xf32> to vector<512x32xf32>
    %swap3A_126 = arith.constant 0 : index
    %swap3A_127 = arith.constant 800 : index
    %swap3A_128 = vector.load %arg3[%swap3A_126, %swap3A_127] : memref<512x845xf32, #tpu.memory_space<vmem>>, vector<512x32xf32>
    tpu.vector_store %arg3[%swap3A_126, %swap3A_127], %squeeze3A_125 {strides = array<i32>} : memref<512x845xf32, #tpu.memory_space<vmem>>, vector<512x32xf32>,
    %get3A_129 = arith.constant 0 : index
    %get3A_130 = arith.constant 0 : index
    %get3A_131 = vector.load %arg2[%get3A_129, %get3A_130] : memref<13x512xf32, #tpu.memory_space<vmem>>, vector<13x512xf32>
    %transpose3A = tpu.transpose %get3A_131, [1, 0] : vector<13x512xf32> -> vector<512x13xf32>
    %swap3A_132 = arith.constant 0 : index
    %swap3A_133 = arith.constant 832 : index
    %swap3A_134 = vector.load %arg3[%swap3A_132, %swap3A_133] : memref<512x845xf32, #tpu.memory_space<vmem>>, vector<512x13xf32>
    tpu.vector_store %arg3[%swap3A_132, %swap3A_133], %transpose3A {strides = array<i32>} : memref<512x845xf32, #tpu.memory_space<vmem>>, vector<512x13xf32>,
    return
  }
  func.func @transform_0(%arg0: i32) -> (i32, i32) {
    %c0_i32 = arith.constant 0 : i32
    %c0_i32_0 = arith.constant 0 : i32
    return %arg0, %c0_i32 : i32, i32
  }
  func.func @transform_1(%arg0: i32) -> (i32, i32) {
    %c0_i32 = arith.constant 0 : i32
    %c0_i32_0 = arith.constant 0 : i32
    return %c0_i32, %arg0 : i32, i32
  }
  func.func @transform_2(%arg0: i32) -> (i32, i32) {
    %c0_i32 = arith.constant 0 : i32
    %c0_i32_0 = arith.constant 0 : i32
    return %arg0, %c0_i32 : i32, i32
  }
}

</mosaic_0001>

<sc_bundles>
// kernel: kernel.4.cloned.1.call-start
scs
__scs_entry_jumppad:
0x0: {  	(pc) =	sbr.rel $0x88, $3  }
0x1: {  	(tag) =	ssettag $0x0;
	lr =	simm.s32 $0x1  }
0x2: {  	[smem:$0x3F9E] =	sst lr;
	_ =	strace $0xD0000000  }
0x3: {  	_ = 	snop  }
0x4: {  	_ = 	snop  }
0x5: {  	_ = 	snop  }
0x6: {  	_ = 	snop  }
0x7: {  	_ = 	snop  }
__scs_overlays_trampoline_lowered:
0x8: {  	[smem:$0x3FAD] =	sst s0  }
0x9: {  	[smem:$0x3FAE] =	sst s1  }
0xa: {  	[smem:$0x3FAF] =	sst s2  }
0xb: {  	[smem:$0x3FB0] =	sst s3  }
0xc: {  	[smem:$0x3FB1] =	sst s4  }
0xd: {  	[smem:$0x3FB2] =	sst s5  }
0xe: {  	[smem:$0x3FB3] =	sst s6  }
0xf: {  	[smem:$0x3FB4] =	sst s7  }
0x10: {  	[smem:$0x3FB5] =	sst s8  }
0x11: {  	[smem:$0x3FB6] =	sst s9;
	s0 =	simm.s32 @!p0 $0x0  }
0x12: {  	s1 =	sld [smem:$0x3F9C];
	s0 =	simm.s32 @p0 $0x1  }
0x13: {  	[smem:$0x3FB7] =	sst s0;
	s0 =	simm.s32 @!p1 $0x0  }
0x14: {  	s2 =	sld [smem:$0x3F9B];
	s0 =	simm.s32 @p1 $0x1  }
0x15: {  	[smem:$0x3FB8] =	sst s0;
	s0 =	simm.s32 @!p2 $0x0  }
0x16: {  	s3 =	sld [smem:$0x3FDB];
	s0 =	simm.s32 @p2 $0x1  }
0x17: {  	s4 =	simm.s32 $0x1BF5;
	[smem:$0x3FBA] =	sst s0  }
0x18: {  	s0 =	sld [smem:$0x3F9D];
	_ =	swait.ge [sflag:s4], $0x0  }
0x19: {  	s7 =	sld [smem:$0x3F9E]  }
0x1a: {  	s8 =	sadd.s32 $0xFFFFE003, lr  }
0x1b: {  	s9 =	sadd.s32 $0xFFFFFEF7, lr;
	s5 =	simm.s32 $0xFFFFFFFF;
	p2 =	slt.u32 s8, $0xFFFFF086  }
0x1c: {  	p1 =	slt.u32 s9, $0xF7A;
	s5 =	simm.s32 @!p2 $0x0  }
0x1d: {  	s5 =	simm.s32 @p1 $0x1;
	p0 =	seq.s32 s7, s2  }
0x1e: {  	s7 =	smul.u32 @!p0 $0xF7A, s2;
	p2 =	seq.s32 @!p0 s5, $0x0  }
0x1f: {  	s9 =	smul.u32 $0xF7A, s1;
	s8 =	simm.s32 @!p0 $0x1BF5;
	p2 =	por !p2, p0  }
0x20: {  	[sflag:s8] =	ssyncset.s32 @!p0 $0xFFFFF086;
	s6 =	sadd.s32 @!p0 s3, s7;
	s7 =	simm.s32 @!p0 $0x108  }
0x21: {  	s3 =	sadd.s32 s3, s9;
	s6 =	sadd.s32 @!p0 $0x88, s6;
	s7 =	simm.s32 @p2 $0x1082  }
0x22: {  	[simem:s7], [sflag:s8] =	dma.local @!p0 [hbm:s6], $0xF7A  }
0x23: {  	s9 =	sor.u32 $0xD0000000, s2;
	s6 =	simm.s32 $0x108;
	_ =	swait.ge @!p0 [sflag:s8], $0x0  }
0x24: {  	s3 =	sadd.s32 $0x88, s3;
	s6 =	simm.s32 @!p1 $0x1082;
	[sflag:s4] =	ssyncset.s32 $0xFFFFF086  }
0x25: {  	[simem:s6], [sflag:s4] =	dma.local [hbm:s3], $0xF7A  }
0x26: {  	[smem:$0x3F9E] =	sst s1;
	(tag) =	ssettag s2;
	_ =	strace s9  }
0x27: {  	s1 =	sld [smem:$0x3FAE]  }
0x28: {  	s2 =	sld [smem:$0x3FAF]  }
0x29: {  	s4 =	sld [smem:$0x3FB1]  }
0x2a: {  	p0 =	seq.s32 s5, $0x0;
	s5 =	sld [smem:$0x3FB2]  }
0x2b: {  	s6 =	sld [smem:$0x3FB3]  }
0x2c: {  	s7 =	sld [smem:$0x3FB4]  }
0x2d: {  	s3 =	simm.s32 $0x108;
	s8 =	sld [smem:$0x3FB5]  }
0x2e: {  	s3 =	simm.s32 @!p0 $0x1082;
	s9 =	sld [smem:$0x3FB6]  }
0x2f: {  	lr =	sadd.s32 s0, s3;
	s0 =	sld [smem:$0x3FAD]  }
0x30: {  	s3 =	sld [smem:$0x3FB0]  }
0x31: {  	[smem:$0x3FB9] =	sst s10  }
0x32: {  	s10 =	sld [smem:$0x3FB7];
	_ =	sdelay $0x3  }
0x33: {  	p0 =	seq.s32 s10, $0x1;
	s10 =	sld [smem:$0x3FB9];
	_ =	sdelay $0x3  }
0x34: {  	[smem:$0x3FB9] =	sst s10  }
0x35: {  	s10 =	sld [smem:$0x3FB8];
	_ =	sdelay $0x3  }
0x36: {  	p1 =	seq.s32 s10, $0x1;
	s10 =	sld [smem:$0x3FB9];
	_ =	sdelay $0x3  }
0x37: {  	[smem:$0x3FB9] =	sst s10  }
0x38: {  	s10 =	sld [smem:$0x3FBA]  }
0x39: {  	_ = 	snop;
	(pc) =	sbr.ind lr, $3  }
0x3a: {  	_ = 	snop  }
0x3b: {  	_ = 	snop  }
0x3c: {  	p2 =	seq.s32 s10, $0x1;
	s10 =	sld [smem:$0x3FB9]  }
0x3d: {  	_ =	shalt  }
0x3e: {  	_ =	shalt  }
0x3f: {  	_ =	shalt  }
0x40: {  	_ =	shalt  }
0x41: {  	_ =	shalt  }
0x42: {  	_ =	shalt  }
0x43: {  	_ =	shalt  }
0x44: {  	_ =	shalt  }
0x45: {  	_ =	shalt  }
0x46: {  	_ =	shalt  }
0x47: {  	_ =	shalt  }
0x48: {  	_ =	shalt  }
0x49: {  	_ =	shalt  }
0x4a: {  	_ =	shalt  }
0x4b: {  	_ =	shalt  }
0x4c: {  	_ =	shalt  }
0x4d: {  	_ =	shalt  }
0x4e: {  	_ =	shalt  }
0x4f: {  	_ =	shalt  }
0x50: {  	_ =	shalt  }
0x51: {  	_ =	shalt  }
0x52: {  	_ =	shalt  }
0x53: {  	_ =	shalt  }
0x54: {  	_ =	shalt  }
0x55: {  	_ =	shalt  }
0x56: {  	_ =	shalt  }
0x57: {  	_ =	shalt  }
0x58: {  	_ =	shalt  }
0x59: {  	_ =	shalt  }
0x5a: {  	_ =	shalt  }
0x5b: {  	_ =	shalt  }
0x5c: {  	_ =	shalt  }
0x5d: {  	_ =	shalt  }
0x5e: {  	_ =	shalt  }
0x5f: {  	_ =	shalt  }
0x60: {  	_ =	shalt  }
0x61: {  	_ =	shalt  }
0x62: {  	_ =	shalt  }
0x63: {  	_ =	shalt  }
0x64: {  	_ =	shalt  }
0x65: {  	_ =	shalt  }
0x66: {  	_ =	shalt  }
0x67: {  	_ =	shalt  }
0x68: {  	_ =	shalt  }
0x69: {  	_ =	shalt  }
0x6a: {  	_ =	shalt  }
0x6b: {  	_ =	shalt  }
0x6c: {  	_ =	shalt  }
0x6d: {  	_ =	shalt  }
0x6e: {  	_ =	shalt  }
0x6f: {  	_ =	shalt  }
0x70: {  	_ =	shalt  }
0x71: {  	_ =	shalt  }
0x72: {  	_ =	shalt  }
0x73: {  	_ =	shalt  }
0x74: {  	_ =	shalt  }
0x75: {  	_ =	shalt  }
0x76: {  	_ =	shalt  }
0x77: {  	_ =	shalt  }
0x78: {  	_ =	shalt  }
0x79: {  	_ =	shalt  }
0x7a: {  	_ =	shalt  }
0x7b: {  	_ =	shalt  }
0x7c: {  	_ =	shalt  }
0x7d: {  	_ =	shalt  }
0x7e: {  	_ =	shalt  }
0x7f: {  	_ =	shalt  }
0x80: {  	_ =	shalt  }
0x81: {  	_ =	shalt  }
0x82: {  	_ =	shalt  }
0x83: {  	_ =	shalt  }
0x84: {  	_ =	shalt  }
0x85: {  	_ =	shalt  }
0x86: {  	_ =	shalt  }
0x87: {  	_ =	shalt  }
.Lfunc_end0:
.L_simem_size_0:
called_computation_lowered:
.L_overlay_start_0:
0x88: {  	s2 =	sld [smem:$0x3FD9]  }
0x89: {  	s3 =	sld [smem:$0x3FFE];
	_ =	sdelay $0x1  }
0x8a: {  	s1 =	srdreg.scid  }
0x8b: {  	s0 =	sand.u32 $0x1, s1  }
0x8c: {  	s17 =	sshll.u32 s0, $0xA;
	s2 =	sadd.s32 s3, s2  }
0x8d: {  	s2 =	sadd.s32 s2, s17  }
0x8e: {  	[smem:$0x3FC5] =	sst s2  }
0x8f: {  	_ = 	snop  }
0x90: {  	s2 =	sld [smem:$0x3FD0];
	(tm) =	ssettm $0x1  }
0x91: {  	s18 =	sld [smem:$0x3FFB];
	_ =	sdelay $0x3  }
0x92: {  	_ =	strace s18  }
0x93: {  	s3 =	sld [smem:$0x3FFC];
	_ =	sdelay $0x3  }
0x94: {  	_ =	strace s3  }
0x95: {  	s3 =	sld [smem:$0x3FFD];
	_ =	sdelay $0x3  }
0x96: {  	_ =	strace s3  }
0x97: {  	_ =	strace $0x8FFFFFFF  }
0x98: {  	s19 =	sld [smem:$0x3FDB];
	_ =	sdelay $0x1  }
0x99: {  	s4 =	simm.s32 $_scs_section_size  }
0x9a: {  	s5 =	simm.s32 $_size__tile_overlayer_lowered;
	s6 =	simm.s32 $_tile_overlayer_lowered  }
0x9b: {  	s22 =	simm.s32 $0x1BFF;
	s21 =	sshll.u32 s6, $0x1;
	s3 =	sadd.s32 s4, s19  }
0x9c: {  	s7 =	simm.s32 $0x0;
	s20 =	sshll.u32 s5, $0x1;
	s5 =	sadd.s32 s21, s3  }
0x9d: {  	[timem:s7], [sflag:s22] =	dma.local [hbm:s5], s20  }
0x9e: {  	_ =	swait.ge [sflag:s22], s20  }
0x9f: {  	s4 =	ssub.s32 $0x0, s20;
	[sflag:s22] =	ssyncset.done $0x0  }
0xa0: {  	[sflag:s22] =	ssyncadd.s32 s4;
	_ =	sdelay $0x1  }
0xa1: {  	s23 =	simm.s32 $0x1B8B  }
0xa2: {  	_ =	swait.ge [sflag:s23], $0x1  }
0xa3: {  	[sflag:s23] =	ssyncset.done $0x0  }
0xa4: {  	s25 =	simm.s32 $0x1B8E;
	s24 =	sld [smem:$0x3FFE];
	[sflag:s23] =	ssyncadd.s32 $0xFFFFFFFF  }
0xa5: {  	s26 =	simm.s32 $execute0_lowered;
	[smem:$0x3FD2] =	sst s25  }
0xa6: {  	s5 =	sshll.u32 s26, $0x1;
	_ =	strace $0x80000046;
	[dreg:$0x1] =	wrdreg $0xFFFFFFFF  }
0xa7: {  	s28 =	simm.s32 $_size_execute0_lowered;
	s3 =	sadd.s32 s3, s5;
	[dreg:$0x0] =	wrdreg $0x0  }
0xa8: {  	s5 =	sshll.u32 s28, $0x1;
	[dreg:$0x2] =	wrdreg s3  }
0xa9: {  	[dreg:$0x3] =	wrdreg s5  }
0xaa: {  	[dreg:$0x4] =	wrdreg $0xC0  }
0xab: {  	_ =	task [dreg:s7], $0x5FFFF  }
0xac: {  	[dreg:$0x1] =	wrdreg $0xFFFFFFFF  }
0xad: {  	[dreg:$0x0] =	wrdreg $0x60  }
0xae: {  	[dreg:$0x2] =	wrdreg s24  }
0xaf: {  	[dreg:$0x3] =	wrdreg s2  }
0xb0: {  	[dreg:$0x4] =	wrdreg $0x9  }
0xb1: {  	_ =	task.clear_ibuf [dreg:s7], $0x5FFFF;
	_ =	strace $0x90000046  }
0xb2: {  	s29 =	simm.s32 $0x9;
	_ =	strace $0x80000048  }
0xb3: {  	_ =	swait.ge [sflag:s29], $0x1  }
0xb4: {  	[sflag:s29] =	ssyncadd.s32 $0xFFFFFFFF  }
0xb5: {  	_ =	strace $0x90000048  }
0xb6: {  	_ =	sfence  }
0xb7: {  	s30 =	sld [smem:$0x0];
	_ =	sdelay $0x2  }
0xb8: {  	s31 =	sshll.u32 s1, $0xD;
	s1 =	sshrl.u32 s1, $0x2  }
0xb9: {  	s3 =	sand.u32 $0x4000, s31;
	s1 =	sadd.s32 s1, s30  }
0xba: {  	s0 =	sor.u32 s3, s0;
	s1 =	sshll.u32 s1, $0x11  }
0xbb: {  	s0 =	sor.u32 s1, s0  }
0xbc: {  	s0 =	sadd.s32 $0x8F2B, s0  }
0xbd: {  	[sflag:s0] =	ssyncadd.remote.s32 $0x1  }
0xbe: {  	_ =	sfence.sel $0xFFFF  }
0xbf: {  	[dreg:$0x0] =	wrdreg $0xFFFFFFFF;
	(pc) =	sbr.abs _section_cstart, $3  }
0xc0: {  	[dreg:$0x1] =	wrdreg $0xFFFFFFFF  }
0xc1: {  	_ =	task.clear_ibuf [dreg:s7], $0x2FFFF;
	_ =	strace $0x9FFFFFFF  }
0xc2: {  	(tm) =	ssettm $0x7FFFFFFF  }
0xc3: {  	_ =	shalt  }
tec
execute0_lowered:
.L_overlay_start_1:
0x0: {  	(tag) =	ssettag $0x1  }
0x1: {  	s0 =	srdreg.scid;
	s3 =	rddreg [dreg:$0x0]  }
0x2: {  	s2 =	simm.s32 $0x0;
	s1 =	sand.u32 $0x1, s0;
	s0 =	rddreg [dreg:$0x1]  }
0x3: {  	s19 =	simm.s32 $0x1D00;
	[smem:$0x7FF] =	sst s2  }
0x4: {  	s20 =	simm.s32 $0x100;
	_ =	strace $0x80000047;
	[dreg:$0x4] =	wrdreg s19  }
0x5: {  	s21 =	simm.s32 $0x2D00;
	[dreg:$0x5] =	wrdreg s20  }
0x6: {  	s22 =	simm.s32 $0x180;
	[dreg:$0x6] =	wrdreg s21  }
0x7: {  	s23 =	simm.s32 $0x3D00;
	[dreg:$0x7] =	wrdreg s22  }
0x8: {  	s24 =	simm.s32 $0x200;
	[dreg:$0x8] =	wrdreg s23  }
0x9: {  	s25 =	simm.s32 $0x4D00;
	[dreg:$0x9] =	wrdreg s24  }
0xa: {  	s26 =	simm.s32 $0x280;
	[dreg:$0xa] =	wrdreg s25  }
0xb: {  	s31 =	simm.s32 $0x5D00;
	[dreg:$0xb] =	wrdreg s26  }
0xc: {  	s6 =	simm.s32 $0x6D00;
	[dreg:$0xc] =	wrdreg s31  }
0xd: {  	s8 =	simm.s32 $0x380;
	[dreg:$0xe] =	wrdreg s6  }
0xe: {  	s9 =	simm.s32 $0x7D00;
	[dreg:$0xf] =	wrdreg s8  }
0xf: {  	s10 =	simm.s32 $0x400;
	[dreg:$0x10] =	wrdreg s9  }
0x10: {  	s11 =	simm.s32 $0x8D00;
	[dreg:$0x11] =	wrdreg s10  }
0x11: {  	s12 =	simm.s32 $0x480;
	[dreg:$0x12] =	wrdreg s11  }
0x12: {  	s7 =	stileid.u32;
	s13 =	simm.s32 $0x9D00;
	[dreg:$0x13] =	wrdreg s12  }
0x13: {  	s14 =	simm.s32 $0x500;
	s15 =	simm.s32 $0xAD00;
	[dreg:$0x14] =	wrdreg s13  }
0x14: {  	s17 =	simm.s32 $0x580;
	s18 =	simm.s32 $0xBD00;
	[dreg:$0x15] =	wrdreg s14  }
0x15: {  	s28 =	simm.s32 $0xC80;
	s29 =	simm.s32 $0x19D00;
	[dreg:$0x16] =	wrdreg s15  }
0x16: {  	s30 =	simm.s32 $0x1;
	s4 =	smul.u32 $0xD00, s7;
	[dreg:$0x17] =	wrdreg s17  }
0x17: {  	s5 =	smul.u32 $0x680, s1;
	s16 =	ssub.s32 $0x2, s1;
	[dreg:$0x18] =	wrdreg s18  }
0x18: {  	s19 =	simm.s32 $0x600;
	s20 =	simm.s32 $0xCD00;
	s21 =	smul.u32 $0x1A000, s7  }
0x19: {  	s22 =	simm.s32 $0x680;
	s1 =	smul.u32 $0xD000, s1;
	s23 =	simm.s32 $0xDD00  }
0x1a: {  	s24 =	simm.s32 $0x700;
	s25 =	simm.s32 $0xED00;
	s26 =	simm.s32 $0x780  }
0x1b: {  	s7 =	simm.s32 $0x80;
	s31 =	simm.s32 $0xFD00;
	[dreg:$0x19] =	wrdreg s19  }
0x1c: {  	s8 =	simm.s32 $0xD00;
	s9 =	simm.s32 $0x800;
	[dreg:$0x1a] =	wrdreg s20  }
0x1d: {  	s10 =	simm.s32 $0x10D00;
	s11 =	simm.s32 $0x880;
	[dreg:$0x1b] =	wrdreg s22  }
0x1e: {  	s12 =	simm.s32 $0x11D00;
	s13 =	simm.s32 $0x900;
	[dreg:$0x1c] =	wrdreg s23  }
0x1f: {  	s14 =	simm.s32 $0x12D00;
	s15 =	simm.s32 $0x980;
	[dreg:$0x1d] =	wrdreg s24  }
0x20: {  	s17 =	simm.s32 $0xA00;
	s18 =	simm.s32 $0x14D00;
	[dreg:$0x1e] =	wrdreg s25  }
0x21: {  	s4 =	sadd.s32 s4, s3;
	s3 =	sadd.s32 $0x27ACE00, s3;
	[dreg:$0x1f] =	wrdreg s26  }
0x22: {  	s6 =	sshrl.u32 s16, $0x1;
	[smem:$0x7FD] =	sst s31;
	s19 =	simm.s32 $0xA80  }
0x23: {  	s20 =	simm.s32 $0x15D00;
	s22 =	simm.s32 $0x16D00;
	s23 =	simm.s32 $0xB80  }
0x24: {  	s24 =	simm.s32 $0x17D00;
	s25 =	simm.s32 $0xC00;
	s26 =	simm.s32 $0x18D00  }
0x25: {  	s4 =	sadd.s32 s5, s4;
	s5 =	simm.s32 $0x300;
	s0 =	sadd.s32 s21, s0  }
0x26: {  	s21 =	simm.s32 $0xB00;
	s4 =	sadd.s32 $0xA00, s4;
	[dreg:$0xd] =	wrdreg s5  }
0x27: {  	s5 =	ssub.s32 s16, s6;
	s0 =	sadd.s32 s1, s0;
	[dreg:$0x3] =	wrdreg s4  }
0x28: {  	s6 =	simm.s32 $0x2;
	s5 =	smax.u32 s5, $0x1;
	[smem:$0x7FC] =	sst s0  }
0x29: {  	s16 =	simm.s32 $0x13D00;
	s1 =	simm.s32 $0x0;
	[smem:$0x7FB] =	sst s5  }
.LBB2_1:
0x2a: {  	s0 =	rddreg [dreg:$0x3]  }
0x2b: {  	[smem:$0x7FA] =	sst s1;
	s0 =	sadd.s32 $0x0, s0  }
0x2c: {  	[tilespmem:s2], [sflag:$0x2] =	stream.linear.gather [hbm4b:s0+s2], $0xD00, $0x38;
	[tilespmem:$0x1AD00] =	vst v63  }
0x2d: {  	_ =	swait.ge [sflag:s6], $0xD00  }
0x2e: {  	s0 =	rddreg [dreg:$0x5]  }
0x2f: {  	[sflag:s6] =	ssyncset.done $0x0;
	s31 =	rddreg [dreg:$0x4]  }
0x30: {  	s4 =	rddreg [dreg:$0x6];
	[sflag:s6] =	ssyncadd.s32 $0xFFFFF300  }
0x31: {  	[tilespmem:s8], [sflag:$0x1] =	stream.indirect.gather [hbm4b:s3+s7], $0x20, s2, s7, $0xb8;
	[tilespmem:$0x1AD00] =	vst v63  }
0x32: {  	s5 =	rddreg [dreg:$0x8]  }
0x33: {  	[tilespmem:s31], [sflag:$0x1] =	stream.indirect.gather [hbm4b:s3+s7], $0x20, s7, s7, $0xb8;
	[tilespmem:$0x1AD00] =	vst v63  }
0x34: {  	s31 =	rddreg [dreg:$0x7]  }
0x35: {  	[tilespmem:s4], [sflag:$0x1] =	stream.indirect.gather [hbm4b:s3+s7], $0x20, s0, s7, $0xb8;
	[tilespmem:$0x1AD00] =	vst v63  }
0x36: {  	s0 =	rddreg [dreg:$0xa]  }
0x37: {  	s4 =	rddreg [dreg:$0x9]  }
0x38: {  	[tilespmem:s5], [sflag:$0x1] =	stream.indirect.gather [hbm4b:s3+s7], $0x20, s31, s7, $0xb8;
	[tilespmem:$0x1AD00] =	vst v63  }
0x39: {  	s5 =	rddreg [dreg:$0xc]  }
0x3a: {  	s31 =	rddreg [dreg:$0xb]  }
0x3b: {  	[tilespmem:s0], [sflag:$0x1] =	stream.indirect.gather [hbm4b:s3+s7], $0x20, s4, s7, $0xb8;
	[tilespmem:$0x1AD00] =	vst v63  }
0x3c: {  	s0 =	rddreg [dreg:$0xe]  }
0x3d: {  	s4 =	rddreg [dreg:$0xd]  }
0x3e: {  	[tilespmem:s5], [sflag:$0x1] =	stream.indirect.gather [hbm4b:s3+s7], $0x20, s31, s7, $0xb8;
	[tilespmem:$0x1AD00] =	vst v63  }
0x3f: {  	s5 =	rddreg [dreg:$0x10]  }
0x40: {  	s31 =	rddreg [dreg:$0xf]  }
0x41: {  	[tilespmem:s0], [sflag:$0x1] =	stream.indirect.gather [hbm4b:s3+s7], $0x20, s4, s7, $0xb8;
	[tilespmem:$0x1AD00] =	vst v63  }
0x42: {  	s0 =	rddreg [dreg:$0x12]  }
0x43: {  	s4 =	rddreg [dreg:$0x11]  }
0x44: {  	[tilespmem:s5], [sflag:$0x1] =	stream.indirect.gather [hbm4b:s3+s7], $0x20, s31, s7, $0xb8;
	[tilespmem:$0x1AD00] =	vst v63  }
0x45: {  	s5 =	rddreg [dreg:$0x14]  }
0x46: {  	s31 =	rddreg [dreg:$0x13]  }
0x47: {  	[tilespmem:s0], [sflag:$0x1] =	stream.indirect.gather [hbm4b:s3+s7], $0x20, s4, s7, $0xb8;
	[tilespmem:$0x1AD00] =	vst v63  }
0x48: {  	s0 =	rddreg [dreg:$0x16]  }
0x49: {  	s4 =	rddreg [dreg:$0x15]  }
0x4a: {  	[tilespmem:s5], [sflag:$0x1] =	stream.indirect.gather [hbm4b:s3+s7], $0x20, s31, s7, $0xb8;
	[tilespmem:$0x1AD00] =	vst v63  }
0x4b: {  	s5 =	rddreg [dreg:$0x18]  }
0x4c: {  	s31 =	rddreg [dreg:$0x17]  }
0x4d: {  	[tilespmem:s0], [sflag:$0x1] =	stream.indirect.gather [hbm4b:s3+s7], $0x20, s4, s7, $0xb8;
	[tilespmem:$0x1AD00] =	vst v63  }
0x4e: {  	s0 =	rddreg [dreg:$0x1a]  }
0x4f: {  	s4 =	rddreg [dreg:$0x19]  }
0x50: {  	[tilespmem:s5], [sflag:$0x1] =	stream.indirect.gather [hbm4b:s3+s7], $0x20, s31, s7, $0xb8;
	[tilespmem:$0x1AD00] =	vst v63  }
0x51: {  	s5 =	rddreg [dreg:$0x1c]  }
0x52: {  	s31 =	rddreg [dreg:$0x1b]  }
0x53: {  	[tilespmem:s0], [sflag:$0x1] =	stream.indirect.gather [hbm4b:s3+s7], $0x20, s4, s7, $0xb8;
	[tilespmem:$0x1AD00] =	vst v63  }
0x54: {  	s0 =	rddreg [dreg:$0x1e]  }
0x55: {  	s4 =	rddreg [dreg:$0x1d]  }
0x56: {  	[tilespmem:s5], [sflag:$0x1] =	stream.indirect.gather [hbm4b:s3+s7], $0x20, s31, s7, $0xb8;
	[tilespmem:$0x1AD00] =	vst v63  }
0x57: {  	s5 =	sld [smem:$0x7FD]  }
0x58: {  	[tilespmem:s0], [sflag:$0x1] =	stream.indirect.gather [hbm4b:s3+s7], $0x20, s4, s7, $0xb8;
	[tilespmem:$0x1AD00] =	vst v63  }
0x59: {  	s31 =	rddreg [dreg:$0x1f]  }
0x5a: {  	[tilespmem:s5], [sflag:$0x1] =	stream.indirect.gather [hbm4b:s3+s7], $0x20, s31, s7, $0xb8;
	[tilespmem:$0x1AD00] =	vst v63  }
0x5b: {  	_ = 	snop  }
0x5c: {  	[tilespmem:s10], [sflag:$0x1] =	stream.indirect.gather [hbm4b:s3+s7], $0x20, s9, s7, $0xb8;
	[tilespmem:$0x1AD00] =	vst v63  }
0x5d: {  	_ = 	snop  }
0x5e: {  	[tilespmem:s12], [sflag:$0x1] =	stream.indirect.gather [hbm4b:s3+s7], $0x20, s11, s7, $0xb8;
	[tilespmem:$0x1AD00] =	vst v63  }
0x5f: {  	_ = 	snop  }
0x60: {  	[tilespmem:s14], [sflag:$0x1] =	stream.indirect.gather [hbm4b:s3+s7], $0x20, s13, s7, $0xb8;
	[tilespmem:$0x1AD00] =	vst v63  }
0x61: {  	_ = 	snop  }
0x62: {  	[tilespmem:s16], [sflag:$0x1] =	stream.indirect.gather [hbm4b:s3+s7], $0x20, s15, s7, $0xb8;
	[tilespmem:$0x1AD00] =	vst v63  }
0x63: {  	_ = 	snop  }
0x64: {  	[tilespmem:s18], [sflag:$0x1] =	stream.indirect.gather [hbm4b:s3+s7], $0x20, s17, s7, $0xb8;
	[tilespmem:$0x1AD00] =	vst v63  }
0x65: {  	_ = 	snop  }
0x66: {  	[tilespmem:s20], [sflag:$0x1] =	stream.indirect.gather [hbm4b:s3+s7], $0x20, s19, s7, $0xb8;
	[tilespmem:$0x1AD00] =	vst v63  }
0x67: {  	_ = 	snop  }
0x68: {  	[tilespmem:s22], [sflag:$0x1] =	stream.indirect.gather [hbm4b:s3+s7], $0x20, s21, s7, $0xb8;
	[tilespmem:$0x1AD00] =	vst v63  }
0x69: {  	_ = 	snop  }
0x6a: {  	[tilespmem:s24], [sflag:$0x1] =	stream.indirect.gather [hbm4b:s3+s7], $0x20, s23, s7, $0xb8;
	[tilespmem:$0x1AD00] =	vst v63  }
0x6b: {  	_ = 	snop  }
0x6c: {  	[tilespmem:s26], [sflag:$0x1] =	stream.indirect.gather [hbm4b:s3+s7], $0x20, s25, s7, $0xb8;
	[tilespmem:$0x1AD00] =	vst v63  }
0x6d: {  	_ = 	snop  }
0x6e: {  	[tilespmem:s29], [sflag:$0x1] =	stream.indirect.gather [hbm4b:s3+s7], $0x20, s28, s7, $0xb8;
	[tilespmem:$0x1AD00] =	vst v63  }
0x6f: {  	_ =	swait.ge [sflag:s30], $0x1000  }
0x70: {  	[sflag:s30] =	ssyncset.done $0x0  }
0x71: {  	[sflag:s30] =	ssyncadd.s32 $0xFFFFF000  }
0x72: {  	_ =	swait.ge [sflag:s30], $0x1000  }
0x73: {  	[sflag:s30] =	ssyncset.done $0x0  }
0x74: {  	[sflag:s30] =	ssyncadd.s32 $0xFFFFF000  }
0x75: {  	_ =	swait.ge [sflag:s30], $0x1000  }
0x76: {  	[sflag:s30] =	ssyncset.done $0x0  }
0x77: {  	[sflag:s30] =	ssyncadd.s32 $0xFFFFF000  }
0x78: {  	_ =	swait.ge [sflag:s30], $0x1000  }
0x79: {  	[sflag:s30] =	ssyncset.done $0x0  }
0x7a: {  	[sflag:s30] =	ssyncadd.s32 $0xFFFFF000  }
0x7b: {  	_ =	swait.ge [sflag:s30], $0x1000  }
0x7c: {  	[sflag:s30] =	ssyncset.done $0x0  }
0x7d: {  	[sflag:s30] =	ssyncadd.s32 $0xFFFFF000  }
0x7e: {  	_ =	swait.ge [sflag:s30], $0x1000  }
0x7f: {  	[sflag:s30] =	ssyncset.done $0x0  }
0x80: {  	[sflag:s30] =	ssyncadd.s32 $0xFFFFF000  }
0x81: {  	_ =	swait.ge [sflag:s30], $0x1000  }
0x82: {  	[sflag:s30] =	ssyncset.done $0x0  }
0x83: {  	[sflag:s30] =	ssyncadd.s32 $0xFFFFF000  }
0x84: {  	_ =	swait.ge [sflag:s30], $0x1000  }
0x85: {  	[sflag:s30] =	ssyncset.done $0x0  }
0x86: {  	[sflag:s30] =	ssyncadd.s32 $0xFFFFF000  }
0x87: {  	_ =	swait.ge [sflag:s30], $0x1000  }
0x88: {  	[sflag:s30] =	ssyncset.done $0x0  }
0x89: {  	[sflag:s30] =	ssyncadd.s32 $0xFFFFF000  }
0x8a: {  	_ =	swait.ge [sflag:s30], $0x1000  }
0x8b: {  	[sflag:s30] =	ssyncset.done $0x0  }
0x8c: {  	[sflag:s30] =	ssyncadd.s32 $0xFFFFF000  }
0x8d: {  	_ =	swait.ge [sflag:s30], $0x1000  }
0x8e: {  	[sflag:s30] =	ssyncset.done $0x0  }
0x8f: {  	[sflag:s30] =	ssyncadd.s32 $0xFFFFF000  }
0x90: {  	_ =	swait.ge [sflag:s30], $0x1000  }
0x91: {  	[sflag:s30] =	ssyncset.done $0x0  }
0x92: {  	[sflag:s30] =	ssyncadd.s32 $0xFFFFF000  }
0x93: {  	_ =	swait.ge [sflag:s30], $0x1000  }
0x94: {  	[sflag:s30] =	ssyncset.done $0x0  }
0x95: {  	[sflag:s30] =	ssyncadd.s32 $0xFFFFF000  }
0x96: {  	_ =	swait.ge [sflag:s30], $0x1000  }
0x97: {  	[sflag:s30] =	ssyncset.done $0x0  }
0x98: {  	[sflag:s30] =	ssyncadd.s32 $0xFFFFF000  }
0x99: {  	_ =	swait.ge [sflag:s30], $0x1000  }
0x9a: {  	[sflag:s30] =	ssyncset.done $0x0  }
0x9b: {  	[sflag:s30] =	ssyncadd.s32 $0xFFFFF000  }
0x9c: {  	_ =	swait.ge [sflag:s30], $0x1000  }
0x9d: {  	[sflag:s30] =	ssyncset.done $0x0  }
0x9e: {  	[sflag:s30] =	ssyncadd.s32 $0xFFFFF000  }
0x9f: {  	_ =	swait.ge [sflag:s30], $0x1000  }
0xa0: {  	[sflag:s30] =	ssyncset.done $0x0  }
0xa1: {  	[sflag:s30] =	ssyncadd.s32 $0xFFFFF000  }
0xa2: {  	_ =	swait.ge [sflag:s30], $0x1000  }
0xa3: {  	[sflag:s30] =	ssyncset.done $0x0  }
0xa4: {  	[sflag:s30] =	ssyncadd.s32 $0xFFFFF000  }
0xa5: {  	_ =	swait.ge [sflag:s30], $0x1000  }
0xa6: {  	[sflag:s30] =	ssyncset.done $0x0  }
0xa7: {  	[sflag:s30] =	ssyncadd.s32 $0xFFFFF000  }
0xa8: {  	_ =	swait.ge [sflag:s30], $0x1000  }
0xa9: {  	[sflag:s30] =	ssyncset.done $0x0  }
0xaa: {  	[sflag:s30] =	ssyncadd.s32 $0xFFFFF000  }
0xab: {  	_ =	swait.ge [sflag:s30], $0x1000  }
0xac: {  	[sflag:s30] =	ssyncset.done $0x0  }
0xad: {  	[sflag:s30] =	ssyncadd.s32 $0xFFFFF000  }
0xae: {  	_ =	swait.ge [sflag:s30], $0x1000  }
0xaf: {  	[sflag:s30] =	ssyncset.done $0x0  }
0xb0: {  	[sflag:s30] =	ssyncadd.s32 $0xFFFFF000  }
0xb1: {  	_ =	swait.ge [sflag:s30], $0x1000  }
0xb2: {  	s5 =	sld [smem:$0x7FC];
	_ =	sdelay $0x2  }
0xb3: {  	s0 =	simm.s32 $0x1A0;
	[sflag:s30] =	ssyncset.done $0x0;
	s1 =	smov.u32 s5  }
.LBB2_2:
0xb4: {  	[sflag:s30] =	ssyncadd.s32 $0xFFFFF000  }
0xb5: {  	_ =	swait.ge [sflag:s30], $0x1000  }
0xb6: {  	[sflag:s30] =	ssyncset.done $0x0  }
0xb7: {  	[sflag:s30] =	ssyncadd.s32 $0xFFFFF000  }
0xb8: {  	_ =	swait.ge [sflag:s30], $0x1000  }
0xb9: {  	[sflag:s30] =	ssyncset.done $0x0  }
0xba: {  	[sflag:s30] =	ssyncadd.s32 $0xFFFFF000  }
0xbb: {  	_ =	swait.ge [sflag:s30], $0x1000  }
0xbc: {  	[sflag:s30] =	ssyncset.done $0x0  }
0xbd: {  	[sflag:s30] =	ssyncadd.s32 $0xFFFFF000  }
0xbe: {  	[hbm4b:s5+s2] =	stream.linear.scatter [tilespmem:s8], [sflag:$0x2], $0x1A000, $0x38;
	[tilespmem:$0x1AD00] =	vst v63  }
0xbf: {  	_ =	swait.ge [sflag:s6], $0x1A000  }
0xc0: {  	s4 =	smov.u32 s0;
	s9 =	rddreg [dreg:$0x3];
	[sflag:s6] =	ssyncset.done $0x0  }
0xc1: {  	[sflag:s6] =	ssyncadd.s32 $0xFFFE6000;
	s4 =	sadd.s32 s4, s9  }
0xc2: {  	[tilespmem:s2], [sflag:$0x2] =	stream.linear.gather [hbm4b:s4+s2], $0xD00, $0x38;
	[tilespmem:$0x1AD00] =	vst v63  }
0xc3: {  	_ =	swait.ge [sflag:s6], $0xD00  }
0xc4: {  	s4 =	sld [smem:$0x7FD]  }
0xc5: {  	s31 =	rddreg [dreg:$0x1e]  }
0xc6: {  	s9 =	rddreg [dreg:$0x1c]  }
0xc7: {  	s10 =	rddreg [dreg:$0x1a]  }
0xc8: {  	s11 =	rddreg [dreg:$0x18]  }
0xc9: {  	s12 =	rddreg [dreg:$0x16]  }
0xca: {  	s13 =	rddreg [dreg:$0x14]  }
0xcb: {  	s14 =	rddreg [dreg:$0x12]  }
0xcc: {  	s15 =	rddreg [dreg:$0x10]  }
0xcd: {  	s16 =	rddreg [dreg:$0xe]  }
0xce: {  	s17 =	rddreg [dreg:$0xc]  }
0xcf: {  	s18 =	rddreg [dreg:$0xa]  }
0xd0: {  	[sflag:s6] =	ssyncset.done $0x0;
	s19 =	rddreg [dreg:$0x5]  }
0xd1: {  	s20 =	rddreg [dreg:$0x4];
	[sflag:s6] =	ssyncadd.s32 $0xFFFFF300  }
0xd2: {  	[tilespmem:s8], [sflag:$0x1] =	stream.indirect.gather [hbm4b:s3+s7], $0x20, s2, s7, $0xb8;
	[tilespmem:$0x1AD00] =	vst v63  }
0xd3: {  	s21 =	rddreg [dreg:$0x6]  }
0xd4: {  	[tilespmem:s20], [sflag:$0x1] =	stream.indirect.gather [hbm4b:s3+s7], $0x20, s7, s7, $0xb8;
	[tilespmem:$0x1AD00] =	vst v63  }
0xd5: {  	s22 =	rddreg [dreg:$0x8]  }
0xd6: {  	[tilespmem:s21], [sflag:$0x1] =	stream.indirect.gather [hbm4b:s3+s7], $0x20, s19, s7, $0xb8;
	[tilespmem:$0x1AD00] =	vst v63  }
0xd7: {  	s20 =	rddreg [dreg:$0x7]  }
0xd8: {  	[tilespmem:s22], [sflag:$0x1] =	stream.indirect.gather [hbm4b:s3+s7], $0x20, s20, s7, $0xb8;
	[tilespmem:$0x1AD00] =	vst v63  }
0xd9: {  	s19 =	rddreg [dreg:$0x9]  }
0xda: {  	[tilespmem:s18], [sflag:$0x1] =	stream.indirect.gather [hbm4b:s3+s7], $0x20, s19, s7, $0xb8;
	[tilespmem:$0x1AD00] =	vst v63  }
0xdb: {  	s20 =	rddreg [dreg:$0xb]  }
0xdc: {  	[tilespmem:s17], [sflag:$0x1] =	stream.indirect.gather [hbm4b:s3+s7], $0x20, s20, s7, $0xb8;
	[tilespmem:$0x1AD00] =	vst v63  }
0xdd: {  	s18 =	rddreg [dreg:$0xd]  }
0xde: {  	[tilespmem:s16], [sflag:$0x1] =	stream.indirect.gather [hbm4b:s3+s7], $0x20, s18, s7, $0xb8;
	[tilespmem:$0x1AD00] =	vst v63  }
0xdf: {  	s17 =	rddreg [dreg:$0xf]  }
0xe0: {  	[tilespmem:s15], [sflag:$0x1] =	stream.indirect.gather [hbm4b:s3+s7], $0x20, s17, s7, $0xb8;
	[tilespmem:$0x1AD00] =	vst v63  }
0xe1: {  	s16 =	rddreg [dreg:$0x11]  }
0xe2: {  	[tilespmem:s14], [sflag:$0x1] =	stream.indirect.gather [hbm4b:s3+s7], $0x20, s16, s7, $0xb8;
	[tilespmem:$0x1AD00] =	vst v63  }
0xe3: {  	s15 =	rddreg [dreg:$0x13]  }
0xe4: {  	[tilespmem:s13], [sflag:$0x1] =	stream.indirect.gather [hbm4b:s3+s7], $0x20, s15, s7, $0xb8;
	[tilespmem:$0x1AD00] =	vst v63  }
0xe5: {  	s14 =	rddreg [dreg:$0x15]  }
0xe6: {  	[tilespmem:s12], [sflag:$0x1] =	stream.indirect.gather [hbm4b:s3+s7], $0x20, s14, s7, $0xb8;
	[tilespmem:$0x1AD00] =	vst v63  }
0xe7: {  	s13 =	rddreg [dreg:$0x17]  }
0xe8: {  	[tilespmem:s11], [sflag:$0x1] =	stream.indirect.gather [hbm4b:s3+s7], $0x20, s13, s7, $0xb8;
	[tilespmem:$0x1AD00] =	vst v63  }
0xe9: {  	s12 =	rddreg [dreg:$0x19]  }
0xea: {  	[tilespmem:s10], [sflag:$0x1] =	stream.indirect.gather [hbm4b:s3+s7], $0x20, s12, s7, $0xb8;
	[tilespmem:$0x1AD00] =	vst v63  }
0xeb: {  	s11 =	rddreg [dreg:$0x1b]  }
0xec: {  	[tilespmem:s9], [sflag:$0x1] =	stream.indirect.gather [hbm4b:s3+s7], $0x20, s11, s7, $0xb8;
	[tilespmem:$0x1AD00] =	vst v63  }
0xed: {  	s10 =	rddreg [dreg:$0x1d]  }
0xee: {  	[tilespmem:s31], [sflag:$0x1] =	stream.indirect.gather [hbm4b:s3+s7], $0x20, s10, s7, $0xb8;
	[tilespmem:$0x1AD00] =	vst v63  }
0xef: {  	s9 =	rddreg [dreg:$0x1f]  }
0xf0: {  	[tilespmem:s4], [sflag:$0x1] =	stream.indirect.gather [hbm4b:s3+s7], $0x20, s9, s7, $0xb8;
	[tilespmem:$0x1AD00] =	vst v63  }
0xf1: {  	s10 =	simm.s32 $0x10D00;
	s9 =	simm.s32 $0x800  }
0xf2: {  	[tilespmem:s10], [sflag:$0x1] =	stream.indirect.gather [hbm4b:s3+s7], $0x20, s9, s7, $0xb8;
	[tilespmem:$0x1AD00] =	vst v63  }
0xf3: {  	s12 =	simm.s32 $0x11D00;
	s11 =	simm.s32 $0x880  }
0xf4: {  	[tilespmem:s12], [sflag:$0x1] =	stream.indirect.gather [hbm4b:s3+s7], $0x20, s11, s7, $0xb8;
	[tilespmem:$0x1AD00] =	vst v63  }
0xf5: {  	s14 =	simm.s32 $0x12D00;
	s13 =	simm.s32 $0x900  }
0xf6: {  	[tilespmem:s14], [sflag:$0x1] =	stream.indirect.gather [hbm4b:s3+s7], $0x20, s13, s7, $0xb8;
	[tilespmem:$0x1AD00] =	vst v63  }
0xf7: {  	s16 =	simm.s32 $0x13D00;
	s15 =	simm.s32 $0x980  }
0xf8: {  	[tilespmem:s16], [sflag:$0x1] =	stream.indirect.gather [hbm4b:s3+s7], $0x20, s15, s7, $0xb8;
	[tilespmem:$0x1AD00] =	vst v63  }
0xf9: {  	s18 =	simm.s32 $0x14D00;
	s17 =	simm.s32 $0xA00  }
0xfa: {  	[tilespmem:s18], [sflag:$0x1] =	stream.indirect.gather [hbm4b:s3+s7], $0x20, s17, s7, $0xb8;
	[tilespmem:$0x1AD00] =	vst v63  }
0xfb: {  	s19 =	simm.s32 $0xA80;
	s20 =	simm.s32 $0x15D00  }
0xfc: {  	[tilespmem:s20], [sflag:$0x1] =	stream.indirect.gather [hbm4b:s3+s7], $0x20, s19, s7, $0xb8;
	[tilespmem:$0x1AD00] =	vst v63  }
0xfd: {  	s21 =	simm.s32 $0xB00;
	s22 =	simm.s32 $0x16D00  }
0xfe: {  	[tilespmem:s22], [sflag:$0x1] =	stream.indirect.gather [hbm4b:s3+s7], $0x20, s21, s7, $0xb8;
	[tilespmem:$0x1AD00] =	vst v63  }
0xff: {  	_ = 	snop  }
0x100: {  	[tilespmem:s24], [sflag:$0x1] =	stream.indirect.gather [hbm4b:s3+s7], $0x20, s23, s7, $0xb8;
	[tilespmem:$0x1AD00] =	vst v63  }
0x101: {  	_ = 	snop  }
0x102: {  	[tilespmem:s26], [sflag:$0x1] =	stream.indirect.gather [hbm4b:s3+s7], $0x20, s25, s7, $0xb8;
	[tilespmem:$0x1AD00] =	vst v63  }
0x103: {  	_ = 	snop  }
0x104: {  	[tilespmem:s29], [sflag:$0x1] =	stream.indirect.gather [hbm4b:s3+s7], $0x20, s28, s7, $0xb8;
	[tilespmem:$0x1AD00] =	vst v63  }
0x105: {  	_ =	swait.ge [sflag:s30], $0x1000  }
0x106: {  	[sflag:s30] =	ssyncset.done $0x0  }
0x107: {  	[sflag:s30] =	ssyncadd.s32 $0xFFFFF000  }
0x108: {  	_ =	swait.ge [sflag:s30], $0x1000  }
0x109: {  	[sflag:s30] =	ssyncset.done $0x0  }
0x10a: {  	[sflag:s30] =	ssyncadd.s32 $0xFFFFF000  }
0x10b: {  	_ =	swait.ge [sflag:s30], $0x1000  }
0x10c: {  	[sflag:s30] =	ssyncset.done $0x0  }
0x10d: {  	[sflag:s30] =	ssyncadd.s32 $0xFFFFF000  }
0x10e: {  	_ =	swait.ge [sflag:s30], $0x1000  }
0x10f: {  	[sflag:s30] =	ssyncset.done $0x0  }
0x110: {  	[sflag:s30] =	ssyncadd.s32 $0xFFFFF000  }
0x111: {  	_ =	swait.ge [sflag:s30], $0x1000  }
0x112: {  	[sflag:s30] =	ssyncset.done $0x0  }
0x113: {  	[sflag:s30] =	ssyncadd.s32 $0xFFFFF000  }
0x114: {  	_ =	swait.ge [sflag:s30], $0x1000  }
0x115: {  	[sflag:s30] =	ssyncset.done $0x0  }
0x116: {  	[sflag:s30] =	ssyncadd.s32 $0xFFFFF000  }
0x117: {  	_ =	swait.ge [sflag:s30], $0x1000  }
0x118: {  	[sflag:s30] =	ssyncset.done $0x0  }
0x119: {  	[sflag:s30] =	ssyncadd.s32 $0xFFFFF000  }
0x11a: {  	_ =	swait.ge [sflag:s30], $0x1000  }
0x11b: {  	[sflag:s30] =	ssyncset.done $0x0  }
0x11c: {  	[sflag:s30] =	ssyncadd.s32 $0xFFFFF000  }
0x11d: {  	_ =	swait.ge [sflag:s30], $0x1000  }
0x11e: {  	[sflag:s30] =	ssyncset.done $0x0  }
0x11f: {  	[sflag:s30] =	ssyncadd.s32 $0xFFFFF000  }
0x120: {  	_ =	swait.ge [sflag:s30], $0x1000  }
0x121: {  	[sflag:s30] =	ssyncset.done $0x0  }
0x122: {  	[sflag:s30] =	ssyncadd.s32 $0xFFFFF000  }
0x123: {  	_ =	swait.ge [sflag:s30], $0x1000  }
0x124: {  	[sflag:s30] =	ssyncset.done $0x0  }
0x125: {  	[sflag:s30] =	ssyncadd.s32 $0xFFFFF000  }
0x126: {  	_ =	swait.ge [sflag:s30], $0x1000  }
0x127: {  	[sflag:s30] =	ssyncset.done $0x0  }
0x128: {  	[sflag:s30] =	ssyncadd.s32 $0xFFFFF000  }
0x129: {  	_ =	swait.ge [sflag:s30], $0x1000  }
0x12a: {  	[sflag:s30] =	ssyncset.done $0x0  }
0x12b: {  	[sflag:s30] =	ssyncadd.s32 $0xFFFFF000  }
0x12c: {  	_ =	swait.ge [sflag:s30], $0x1000  }
0x12d: {  	[sflag:s30] =	ssyncset.done $0x0  }
0x12e: {  	[sflag:s30] =	ssyncadd.s32 $0xFFFFF000  }
0x12f: {  	_ =	swait.ge [sflag:s30], $0x1000  }
0x130: {  	[sflag:s30] =	ssyncset.done $0x0  }
0x131: {  	[sflag:s30] =	ssyncadd.s32 $0xFFFFF000  }
0x132: {  	_ =	swait.ge [sflag:s30], $0x1000  }
0x133: {  	[sflag:s30] =	ssyncset.done $0x0  }
0x134: {  	[sflag:s30] =	ssyncadd.s32 $0xFFFFF000  }
0x135: {  	_ =	swait.ge [sflag:s30], $0x1000  }
0x136: {  	[sflag:s30] =	ssyncset.done $0x0  }
0x137: {  	[sflag:s30] =	ssyncadd.s32 $0xFFFFF000  }
0x138: {  	_ =	swait.ge [sflag:s30], $0x1000  }
0x139: {  	[sflag:s30] =	ssyncset.done $0x0  }
0x13a: {  	[sflag:s30] =	ssyncadd.s32 $0xFFFFF000  }
0x13b: {  	_ =	swait.ge [sflag:s30], $0x1000  }
0x13c: {  	[sflag:s30] =	ssyncset.done $0x0  }
0x13d: {  	[sflag:s30] =	ssyncadd.s32 $0xFFFFF000  }
0x13e: {  	_ =	swait.ge [sflag:s30], $0x1000  }
0x13f: {  	[sflag:s30] =	ssyncset.done $0x0  }
0x140: {  	[sflag:s30] =	ssyncadd.s32 $0xFFFFF000  }
0x141: {  	_ =	swait.ge [sflag:s30], $0x1000  }
0x142: {  	[sflag:s30] =	ssyncset.done $0x0  }
0x143: {  	p0 =	sne.s32 s0, $0x4E0;
	[sflag:s30] =	ssyncadd.s32 $0xFFFFF000  }
.Ltmp0:
0x144: {  	_ =	swait.ge [sflag:s30], $0x1000;
	(pc) =	sbr.rel @p0 .LBB2_2-.Ltmp0, $4  }
0x145: {  	[sflag:s30] =	ssyncset.done $0x0  }
0x146: {  	[sflag:s30] =	ssyncadd.s32 $0xFFFFF000  }
0x147: {  	s1 =	sadd.s32 $0x3400, s1;
	_ =	swait.ge [sflag:s30], $0x1000  }
0x148: {  	s0 =	sadd.s32 $0x1A0, s0;
	s5 =	smov.u32 s1;
	[sflag:s30] =	ssyncset.done $0x0  }
0x149: {  	[sflag:s30] =	ssyncadd.s32 $0xFFFFF000  }
0x14a: {  	_ =	swait.ge [sflag:s30], $0x1000  }
0x14b: {  	[sflag:s30] =	ssyncset.done $0x0  }
0x14c: {  	[sflag:s30] =	ssyncadd.s32 $0xFFFFF000  }
0x14d: {  	_ =	swait.ge [sflag:s30], $0x1000  }
0x14e: {  	[sflag:s30] =	ssyncset.done $0x0  }
0x14f: {  	[sflag:s30] =	ssyncadd.s32 $0xFFFFF000  }
0x150: {  	_ =	swait.ge [sflag:s30], $0x1000  }
0x151: {  	[sflag:s30] =	ssyncset.done $0x0  }
0x152: {  	[sflag:s30] =	ssyncadd.s32 $0xFFFFF000  }
0x153: {  	[hbm4b:s5+s2] =	stream.linear.scatter [tilespmem:s8], [sflag:$0x2], $0x1A000, $0x38;
	[tilespmem:$0x1AD00] =	vst v63  }
0x154: {  	_ =	swait.ge [sflag:s6], $0x1A000  }
0x155: {  	s1 =	sld [smem:$0x7FA]  }
0x156: {  	s0 =	sld [smem:$0x7FB];
	_ =	sdelay $0x1  }
0x157: {  	s1 =	sadd.s32 $0x1, s1  }
0x158: {  	p0 =	sne.s32 s1, s0  }
.Ltmp1:
0x159: {  	_ = 	snop;
	(pc) =	sbr.rel @p0 .LBB2_1-.Ltmp1, $3  }
0x15a: {  	_ =	sdelay $0x1  }
0x15b: {  	[sflag:s6] =	ssyncset.done $0x0  }
0x15c: {  	[sflag:s6] =	ssyncadd.s32 $0xFFFE6000  }
0x15d: {  	_ =	sfence.sel $0x180000  }
0x15e: {  	[bflag:$0x0] =	sbarrier.arrive $0xFFFF  }
0x15f: {  	_ =	strace $0x90000047  }
0x160: {  	s0 =	stileid.u32;
	[bflag:$0x2] =	sbarrier.arrive $0xFFFF  }
0x161: {  	p0 =	sne.s32 s0, $0x0;
	s0 =	rddreg [dreg:$0x2]  }
0x162: {  	s0 =	sadd.s32 @!p0 $0x100000, s0  }
0x163: {  	[sflag:s0] =	ssyncadd.tile.s32 @!p0 $0x1;
	_ =	shalt  }
.Lfunc_end2:
_tile_overlayer_lowered:
.L_overlay_start_2:
0x164: {  	(tag) =	ssettag $0x2  }
0x165: {  	s0 =	rddreg [dreg:$0x0];
	s2 =	stileid.u32  }
0x166: {  	s1 =	rddreg [dreg:$0x1];
	p0 =	sne.s32 s2, $0x0  }
0x167: {  	s3 =	rddreg [dreg:$0x2];
	[bflag:$0x3] =	sbarrier.arrive $0xFFFF;
	s2 =	simm.s32 @!p0 $0x1C02  }
0x168: {  	[timem:s3], [sflag:s2] =	dma.local @!p0 [hbm:s0], s1  }
0x169: {  	s0 =	simm.s32 @!p0 $0x2  }
0x16a: {  	_ =	swait.ge @!p0 [sflag:s0], s1  }
0x16b: {  	s1 =	ssub.s32 @!p0 $0x0, s1;
	[sflag:s0] =	ssyncset.done @!p0 $0x0  }
0x16c: {  	[sflag:s0] =	ssyncadd.s32 @!p0 s1  }
0x16d: {  	[bflag:$0x3] =	sbarrier.arrive $0xFFFF  }
0x16e: {  	_ =	shalt  }

</sc_bundles>
